<compile_context>
chip_gen: v7x
topology: tpu7x:2x2x1
jax: 0.10.2.dev20260603
libtpu: 0.0.44.dev20260713+nightly
codegen_flags: <defaults>
</compile_context>

<pallas_src>
import functools

import jax
import jax.numpy as jnp
from jax import lax
from jax.experimental import pallas as pl
from jax.experimental.pallas import tpu as pltpu
from jax.experimental.pallas import tpu_sc as plsc

_VOCAB = 100000
_DIM = 1024
_B = 16
_S = 2048
_NC = 2
_NS = 16
_NW = _NC * _NS
_S_PER_W = _S // _NW
_CHUNK = 16
_NBUF = 3
_NCHUNK = _B * (_S_PER_W // _CHUNK)
_LANES = 16
_VEC_PER_CHUNK = _CHUNK * _DIM // _LANES


def _emb_body(we_hbm, ids_hbm, pe_hbm, out_hbm, idx_all, pe_v,
              r0, r1, r2, sg0, sg1, sg2, ss0, ss1, ss2, spe, sidx):
    cid = lax.axis_index("c")
    sid = lax.axis_index("s")
    wid = sid * _NC + cid
    s_base = wid * _S_PER_W

    rows = (r0, r1, r2)
    sg = (sg0, sg1, sg2)
    ss = (ss0, ss1, ss2)

    pe_cp = pltpu.async_copy(pe_hbm.at[pl.ds(s_base, _S_PER_W)], pe_v, spe)
    for b in range(_B):
        pltpu.async_copy(ids_hbm.at[pl.ds(b * _S + s_base, _S_PER_W)],
                         idx_all.at[b], sidx)
    for b in range(_B):
        pltpu.make_async_copy(ids_hbm.at[pl.ds(0, _S_PER_W)],
                              idx_all.at[0], sidx).wait()

    def idx_ref(bt, q):
        off = pl.multiple_of(q * _CHUNK, _CHUNK)
        return idx_all.at[bt, pl.ds(off, _CHUNK)]

    pltpu.async_copy(we_hbm.at[idx_ref(0, 0)], r0, sg0)
    pltpu.async_copy(we_hbm.at[idx_ref(0, 1)], r1, sg1)
    pe_cp.wait()

    dummy_g_src = we_hbm.at[pl.ds(0, _CHUNK)]
    dummy_s_dst = out_hbm.at[pl.ds(0, _CHUNK)]

    def do_chunk(c, b):
        rb = rows[b]
        c = jnp.int32(c)
        bt = lax.shift_right_logical(c, 2)
        q = lax.bitwise_and(c, 3)
        out_row = bt * _S + s_base + q * _CHUNK
        rs = q * _CHUNK

        pltpu.make_async_copy(dummy_g_src, rb, sg[b]).wait()

        @plsc.parallel_loop(0, _VEC_PER_CHUNK, unroll=8)
        def _add(v):
            j = lax.shift_right_logical(v, 6)
            col = pl.multiple_of(lax.shift_left(lax.bitwise_and(v, 63), 4),
                                 _LANES)
            sl = pl.ds(col, _LANES)
            plsc.addupdate(rb.at[j, sl], pe_v[rs + j, sl])

        pltpu.async_copy(rb, out_hbm.at[pl.ds(out_row, _CHUNK)], ss[b])

        nb = (b + 2) % _NBUF
        nc = c + 2
        nbt = lax.shift_right_logical(nc, 2)
        nq = lax.bitwise_and(nc, 3)

        @pl.when(jnp.logical_and(nc < _NCHUNK, c >= 1))
        def _():
            pltpu.make_async_copy(rows[nb], dummy_s_dst, ss[nb]).wait()
            pltpu.async_copy(we_hbm.at[idx_ref(nbt, nq)], rows[nb], sg[nb])

        @pl.when(jnp.logical_and(nc < _NCHUNK, c < 1))
        def _():
            pltpu.async_copy(we_hbm.at[idx_ref(nbt, nq)], rows[nb], sg[nb])

    @pl.loop(0, (_NCHUNK - 1) // _NBUF)
    def _grp(gi):
        base_c = gi * _NBUF
        for b in range(_NBUF):
            do_chunk(base_c + b, b)

    do_chunk(_NCHUNK - 1, (_NCHUNK - 1) % _NBUF)

    for b in range(_NBUF):
        pltpu.make_async_copy(rows[b], dummy_s_dst, ss[b]).wait()


@jax.jit
def _emb_call(word_embeddings, ids_flat, position_embeddings):
    mesh = plsc.VectorSubcoreMesh(core_axis_name="c", subcore_axis_name="s")
    return pl.kernel(
        _emb_body,
        mesh=mesh,
        out_type=jax.ShapeDtypeStruct((_B * _S, _DIM), jnp.float32),
        scratch_types=[
            pltpu.VMEM((_B, _S_PER_W), jnp.int32),
            pltpu.VMEM((_S_PER_W, _DIM), jnp.float32),
            pltpu.VMEM((_CHUNK, _DIM), jnp.float32),
            pltpu.VMEM((_CHUNK, _DIM), jnp.float32),
            pltpu.VMEM((_CHUNK, _DIM), jnp.float32),
            pltpu.SemaphoreType.DMA,
            pltpu.SemaphoreType.DMA,
            pltpu.SemaphoreType.DMA,
            pltpu.SemaphoreType.DMA,
            pltpu.SemaphoreType.DMA,
            pltpu.SemaphoreType.DMA,
            pltpu.SemaphoreType.DMA,
            pltpu.SemaphoreType.DMA,
        ],
    )(word_embeddings, ids_flat, position_embeddings)


def kernel(input_ids, word_embeddings, position_embeddings):
    ids_flat = jnp.asarray(input_ids, jnp.int32).reshape(-1)
    out = _emb_call(word_embeddings, ids_flat, position_embeddings)
    return out.reshape(_B, _S, _DIM)

# --- scband reference (transcript-rebuilt; emitter-appended) ---
"""Pipeline reference for scband-embeddings-3040836845912 (READ-ONLY COPY).

The authoritative reference and input builder live on the scoring server;
editing this copy changes nothing except your own understanding.
"""

import jax, jax.numpy as jnp
import numpy as np

VOCAB = 100000
DIM = 1024
MAX_SEQ = 2048
B = 16
S = 2048

def setup_inputs(seed: int = 0) -> dict:
    key = jax.random.key(seed)
    k1, k2, k3 = jax.random.split(key, 3)
    input_ids = jax.random.randint(k1, (B, S), 0, VOCAB, dtype=jnp.int64 if jax.config.jax_enable_x64 else jnp.int32)
    word_embeddings = jax.random.normal(k2, (VOCAB, DIM), dtype=jnp.float32) * 0.02
    position_embeddings = jax.random.normal(k3, (MAX_SEQ, DIM), dtype=jnp.float32) * 0.02
    return {"input_ids": input_ids, "word_embeddings": word_embeddings, "position_embeddings": position_embeddings}

def reference(input_ids, word_embeddings, position_embeddings):
    batch_size, seq_len = input_ids.shape
    position_ids = jnp.broadcast_to(jnp.arange(seq_len)[None, :], (batch_size, seq_len))
    X_token = jnp.take(word_embeddings, input_ids, axis=0)
    X_pos = jnp.take(position_embeddings, position_ids, axis=0)
    X = X_token + X_pos
    # dropout is identity in eval mode
    return X

if __name__ == "__main__":
    import jax
    _d = setup_inputs()
    print(jax.jit(kernel)(*tuple(_d.values())))

</pallas_src>

<mosaic_0001>
#map = affine_map<(d0, d1) -> (0, 0)>
#map1 = affine_map<(d0, d1) -> (0)>
module attributes {stable_mosaic.version = 14 : i64} {
  func.func @_emb_body(%arg0: i32, %arg1: i32, %arg2: memref<100000x1024xf32, #tpu.memory_space<hbm>>, %arg3: memref<32768xi32, #tpu.memory_space<hbm>>, %arg4: memref<2048x1024xf32, #tpu.memory_space<hbm>>, %arg5: memref<32768x1024xf32, #tpu.memory_space<hbm>>, %arg6: memref<16x64xi32, #tpu.memory_space<vmem>>, %arg7: memref<64x1024xf32, #tpu.memory_space<vmem>>, %arg8: memref<16x1024xf32, #tpu.memory_space<vmem>>, %arg9: memref<16x1024xf32, #tpu.memory_space<vmem>>, %arg10: memref<16x1024xf32, #tpu.memory_space<vmem>>, %arg11: memref<!tpu.dma_semaphore, #tpu.memory_space<semaphore_mem>>, %arg12: memref<!tpu.dma_semaphore, #tpu.memory_space<semaphore_mem>>, %arg13: memref<!tpu.dma_semaphore, #tpu.memory_space<semaphore_mem>>, %arg14: memref<!tpu.dma_semaphore, #tpu.memory_space<semaphore_mem>>, %arg15: memref<!tpu.dma_semaphore, #tpu.memory_space<semaphore_mem>>, %arg16: memref<!tpu.dma_semaphore, #tpu.memory_space<semaphore_mem>>, %arg17: memref<!tpu.dma_semaphore, #tpu.memory_space<semaphore_mem>>, %arg18: memref<!tpu.dma_semaphore, #tpu.memory_space<semaphore_mem>>) attributes {dimension_semantics = [#tpu.dimension_semantics<core_parallel>, #tpu.dimension_semantics<subcore_parallel>], iteration_bounds = array<i64: 2, 16>, scalar_prefetch = 0 : i64, scratch_operands = 13 : i64, tpu.core_type = #tpu.core_type<sc_vector_subcore>, window_params = [{transform_indices = #map}, {transform_indices = #map1}, {transform_indices = #map}, {transform_indices = #map}]} {
    %mul3A = arith.constant 2 : i32
    %mul3A_0 = arith.muli %arg1, %mul3A : i32
    %add3A = arith.addi %mul3A_0, %arg0 : i32
    %mul3A_1 = arith.constant 64 : i32
    %mul3A_2 = arith.muli %add3A, %mul3A_1 : i32
    %dma_start3A = arith.constant 0 : i32
    %dma_start3A_3 = tpu.memref_slice %arg4[%mul3A_2, %dma_start3A] : memref<2048x1024xf32, #tpu.memory_space<hbm>> -> memref<64x1024xf32, #tpu.memory_space<hbm>>
    %dma_start3A_4 = arith.constant 0 : i32
    %dma_start3A_5 = tpu.memref_slice %arg4[%mul3A_2, %dma_start3A_4] : memref<2048x1024xf32, #tpu.memory_space<hbm>> -> memref<64x1024xf32, #tpu.memory_space<hbm>>
    tpu.enqueue_dma source(%dma_start3A_5 : memref<64x1024xf32, #tpu.memory_space<hbm>>) target(%arg7 : memref<64x1024xf32, #tpu.memory_space<vmem>>) target_semaphore(%arg17 : memref<!tpu.dma_semaphore, #tpu.memory_space<semaphore_mem>>)
    %add3A_6 = arith.constant 0 : i32
    %add3A_7 = arith.addi %add3A_6, %mul3A_2 : i32
    %dma_start3A_8 = arith.constant 0 : i32
    %dma_start3A_9 = arith.constant 0 : i32
    %dma_start3A_10 = tpu.memref_slice %arg6[%dma_start3A_8, %dma_start3A_9] : memref<16x64xi32, #tpu.memory_space<vmem>> -> memref<1x64xi32, #tpu.memory_space<vmem>>
    %dma_start3A_11 = tpu.memref_squeeze %dma_start3A_10 : memref<1x64xi32, #tpu.memory_space<vmem>> -> memref<64xi32, #tpu.memory_space<vmem>>
    %dma_start3A_12 = tpu.memref_slice %arg3[%add3A_7] : memref<32768xi32, #tpu.memory_space<hbm>> -> memref<64xi32, #tpu.memory_space<hbm>>
    %dma_start3A_13 = arith.constant 0 : i32
    %dma_start3A_14 = tpu.memref_slice %arg6[%dma_start3A_8, %dma_start3A_13] : memref<16x64xi32, #tpu.memory_space<vmem>> -> memref<1x64xi32, #tpu.memory_space<vmem>>
    %dma_start3A_15 = tpu.memref_squeeze %dma_start3A_14 : memref<1x64xi32, #tpu.memory_space<vmem>> -> memref<64xi32, #tpu.memory_space<vmem>>
    %dma_start3A_16 = tpu.memref_slice %arg3[%add3A_7] : memref<32768xi32, #tpu.memory_space<hbm>> -> memref<64xi32, #tpu.memory_space<hbm>>
    tpu.enqueue_dma source(%dma_start3A_16 : memref<64xi32, #tpu.memory_space<hbm>>) target(%dma_start3A_15 : memref<64xi32, #tpu.memory_space<vmem>>) target_semaphore(%arg18 : memref<!tpu.dma_semaphore, #tpu.memory_space<semaphore_mem>>)
    %add3A_17 = arith.constant 2048 : i32
    %add3A_18 = arith.addi %add3A_17, %mul3A_2 : i32
    %dma_start3A_19 = arith.constant 1 : i32
    %dma_start3A_20 = arith.constant 0 : i32
    %dma_start3A_21 = tpu.memref_slice %arg6[%dma_start3A_19, %dma_start3A_20] : memref<16x64xi32, #tpu.memory_space<vmem>> -> memref<1x64xi32, #tpu.memory_space<vmem>>
    %dma_start3A_22 = tpu.memref_squeeze %dma_start3A_21 : memref<1x64xi32, #tpu.memory_space<vmem>> -> memref<64xi32, #tpu.memory_space<vmem>>
    %dma_start3A_23 = tpu.memref_slice %arg3[%add3A_18] : memref<32768xi32, #tpu.memory_space<hbm>> -> memref<64xi32, #tpu.memory_space<hbm>>
    %dma_start3A_24 = arith.constant 0 : i32
    %dma_start3A_25 = tpu.memref_slice %arg6[%dma_start3A_19, %dma_start3A_24] : memref<16x64xi32, #tpu.memory_space<vmem>> -> memref<1x64xi32, #tpu.memory_space<vmem>>
    %dma_start3A_26 = tpu.memref_squeeze %dma_start3A_25 : memref<1x64xi32, #tpu.memory_space<vmem>> -> memref<64xi32, #tpu.memory_space<vmem>>
    %dma_start3A_27 = tpu.memref_slice %arg3[%add3A_18] : memref<32768xi32, #tpu.memory_space<hbm>> -> memref<64xi32, #tpu.memory_space<hbm>>
    tpu.enqueue_dma source(%dma_start3A_27 : memref<64xi32, #tpu.memory_space<hbm>>) target(%dma_start3A_26 : memref<64xi32, #tpu.memory_space<vmem>>) target_semaphore(%arg18 : memref<!tpu.dma_semaphore, #tpu.memory_space<semaphore_mem>>)
    %add3A_28 = arith.constant 4096 : i32
    %add3A_29 = arith.addi %add3A_28, %mul3A_2 : i32
    %dma_start3A_30 = arith.constant 2 : i32
    %dma_start3A_31 = arith.constant 0 : i32
    %dma_start3A_32 = tpu.memref_slice %arg6[%dma_start3A_30, %dma_start3A_31] : memref<16x64xi32, #tpu.memory_space<vmem>> -> memref<1x64xi32, #tpu.memory_space<vmem>>
    %dma_start3A_33 = tpu.memref_squeeze %dma_start3A_32 : memref<1x64xi32, #tpu.memory_space<vmem>> -> memref<64xi32, #tpu.memory_space<vmem>>
    %dma_start3A_34 = tpu.memref_slice %arg3[%add3A_29] : memref<32768xi32, #tpu.memory_space<hbm>> -> memref<64xi32, #tpu.memory_space<hbm>>
    %dma_start3A_35 = arith.constant 0 : i32
    %dma_start3A_36 = tpu.memref_slice %arg6[%dma_start3A_30, %dma_start3A_35] : memref<16x64xi32, #tpu.memory_space<vmem>> -> memref<1x64xi32, #tpu.memory_space<vmem>>
    %dma_start3A_37 = tpu.memref_squeeze %dma_start3A_36 : memref<1x64xi32, #tpu.memory_space<vmem>> -> memref<64xi32, #tpu.memory_space<vmem>>
    %dma_start3A_38 = tpu.memref_slice %arg3[%add3A_29] : memref<32768xi32, #tpu.memory_space<hbm>> -> memref<64xi32, #tpu.memory_space<hbm>>
    tpu.enqueue_dma source(%dma_start3A_38 : memref<64xi32, #tpu.memory_space<hbm>>) target(%dma_start3A_37 : memref<64xi32, #tpu.memory_space<vmem>>) target_semaphore(%arg18 : memref<!tpu.dma_semaphore, #tpu.memory_space<semaphore_mem>>)
    %add3A_39 = arith.constant 6144 : i32
    %add3A_40 = arith.addi %add3A_39, %mul3A_2 : i32
    %dma_start3A_41 = arith.constant 3 : i32
    %dma_start3A_42 = arith.constant 0 : i32
    %dma_start3A_43 = tpu.memref_slice %arg6[%dma_start3A_41, %dma_start3A_42] : memref<16x64xi32, #tpu.memory_space<vmem>> -> memref<1x64xi32, #tpu.memory_space<vmem>>
    %dma_start3A_44 = tpu.memref_squeeze %dma_start3A_43 : memref<1x64xi32, #tpu.memory_space<vmem>> -> memref<64xi32, #tpu.memory_space<vmem>>
    %dma_start3A_45 = tpu.memref_slice %arg3[%add3A_40] : memref<32768xi32, #tpu.memory_space<hbm>> -> memref<64xi32, #tpu.memory_space<hbm>>
    %dma_start3A_46 = arith.constant 0 : i32
    %dma_start3A_47 = tpu.memref_slice %arg6[%dma_start3A_41, %dma_start3A_46] : memref<16x64xi32, #tpu.memory_space<vmem>> -> memref<1x64xi32, #tpu.memory_space<vmem>>
    %dma_start3A_48 = tpu.memref_squeeze %dma_start3A_47 : memref<1x64xi32, #tpu.memory_space<vmem>> -> memref<64xi32, #tpu.memory_space<vmem>>
    %dma_start3A_49 = tpu.memref_slice %arg3[%add3A_40] : memref<32768xi32, #tpu.memory_space<hbm>> -> memref<64xi32, #tpu.memory_space<hbm>>
    tpu.enqueue_dma source(%dma_start3A_49 : memref<64xi32, #tpu.memory_space<hbm>>) target(%dma_start3A_48 : memref<64xi32, #tpu.memory_space<vmem>>) target_semaphore(%arg18 : memref<!tpu.dma_semaphore, #tpu.memory_space<semaphore_mem>>)
    %add3A_50 = arith.constant 8192 : i32
    %add3A_51 = arith.addi %add3A_50, %mul3A_2 : i32
    %dma_start3A_52 = arith.constant 4 : i32
    %dma_start3A_53 = arith.constant 0 : i32
    %dma_start3A_54 = tpu.memref_slice %arg6[%dma_start3A_52, %dma_start3A_53] : memref<16x64xi32, #tpu.memory_space<vmem>> -> memref<1x64xi32, #tpu.memory_space<vmem>>
    %dma_start3A_55 = tpu.memref_squeeze %dma_start3A_54 : memref<1x64xi32, #tpu.memory_space<vmem>> -> memref<64xi32, #tpu.memory_space<vmem>>
    %dma_start3A_56 = tpu.memref_slice %arg3[%add3A_51] : memref<32768xi32, #tpu.memory_space<hbm>> -> memref<64xi32, #tpu.memory_space<hbm>>
    %dma_start3A_57 = arith.constant 0 : i32
    %dma_start3A_58 = tpu.memref_slice %arg6[%dma_start3A_52, %dma_start3A_57] : memref<16x64xi32, #tpu.memory_space<vmem>> -> memref<1x64xi32, #tpu.memory_space<vmem>>
    %dma_start3A_59 = tpu.memref_squeeze %dma_start3A_58 : memref<1x64xi32, #tpu.memory_space<vmem>> -> memref<64xi32, #tpu.memory_space<vmem>>
    %dma_start3A_60 = tpu.memref_slice %arg3[%add3A_51] : memref<32768xi32, #tpu.memory_space<hbm>> -> memref<64xi32, #tpu.memory_space<hbm>>
    tpu.enqueue_dma source(%dma_start3A_60 : memref<64xi32, #tpu.memory_space<hbm>>) target(%dma_start3A_59 : memref<64xi32, #tpu.memory_space<vmem>>) target_semaphore(%arg18 : memref<!tpu.dma_semaphore, #tpu.memory_space<semaphore_mem>>)
    %add3A_61 = arith.constant 10240 : i32
    %add3A_62 = arith.addi %add3A_61, %mul3A_2 : i32
    %dma_start3A_63 = arith.constant 5 : i32
    %dma_start3A_64 = arith.constant 0 : i32
    %dma_start3A_65 = tpu.memref_slice %arg6[%dma_start3A_63, %dma_start3A_64] : memref<16x64xi32, #tpu.memory_space<vmem>> -> memref<1x64xi32, #tpu.memory_space<vmem>>
    %dma_start3A_66 = tpu.memref_squeeze %dma_start3A_65 : memref<1x64xi32, #tpu.memory_space<vmem>> -> memref<64xi32, #tpu.memory_space<vmem>>
    %dma_start3A_67 = tpu.memref_slice %arg3[%add3A_62] : memref<32768xi32, #tpu.memory_space<hbm>> -> memref<64xi32, #tpu.memory_space<hbm>>
    %dma_start3A_68 = arith.constant 0 : i32
    %dma_start3A_69 = tpu.memref_slice %arg6[%dma_start3A_63, %dma_start3A_68] : memref<16x64xi32, #tpu.memory_space<vmem>> -> memref<1x64xi32, #tpu.memory_space<vmem>>
    %dma_start3A_70 = tpu.memref_squeeze %dma_start3A_69 : memref<1x64xi32, #tpu.memory_space<vmem>> -> memref<64xi32, #tpu.memory_space<vmem>>
    %dma_start3A_71 = tpu.memref_slice %arg3[%add3A_62] : memref<32768xi32, #tpu.memory_space<hbm>> -> memref<64xi32, #tpu.memory_space<hbm>>
    tpu.enqueue_dma source(%dma_start3A_71 : memref<64xi32, #tpu.memory_space<hbm>>) target(%dma_start3A_70 : memref<64xi32, #tpu.memory_space<vmem>>) target_semaphore(%arg18 : memref<!tpu.dma_semaphore, #tpu.memory_space<semaphore_mem>>)
    %add3A_72 = arith.constant 12288 : i32
    %add3A_73 = arith.addi %add3A_72, %mul3A_2 : i32
    %dma_start3A_74 = arith.constant 6 : i32
    %dma_start3A_75 = arith.constant 0 : i32
    %dma_start3A_76 = tpu.memref_slice %arg6[%dma_start3A_74, %dma_start3A_75] : memref<16x64xi32, #tpu.memory_space<vmem>> -> memref<1x64xi32, #tpu.memory_space<vmem>>
    %dma_start3A_77 = tpu.memref_squeeze %dma_start3A_76 : memref<1x64xi32, #tpu.memory_space<vmem>> -> memref<64xi32, #tpu.memory_space<vmem>>
    %dma_start3A_78 = tpu.memref_slice %arg3[%add3A_73] : memref<32768xi32, #tpu.memory_space<hbm>> -> memref<64xi32, #tpu.memory_space<hbm>>
    %dma_start3A_79 = arith.constant 0 : i32
    %dma_start3A_80 = tpu.memref_slice %arg6[%dma_start3A_74, %dma_start3A_79] : memref<16x64xi32, #tpu.memory_space<vmem>> -> memref<1x64xi32, #tpu.memory_space<vmem>>
    %dma_start3A_81 = tpu.memref_squeeze %dma_start3A_80 : memref<1x64xi32, #tpu.memory_space<vmem>> -> memref<64xi32, #tpu.memory_space<vmem>>
    %dma_start3A_82 = tpu.memref_slice %arg3[%add3A_73] : memref<32768xi32, #tpu.memory_space<hbm>> -> memref<64xi32, #tpu.memory_space<hbm>>
    tpu.enqueue_dma source(%dma_start3A_82 : memref<64xi32, #tpu.memory_space<hbm>>) target(%dma_start3A_81 : memref<64xi32, #tpu.memory_space<vmem>>) target_semaphore(%arg18 : memref<!tpu.dma_semaphore, #tpu.memory_space<semaphore_mem>>)
    %add3A_83 = arith.constant 14336 : i32
    %add3A_84 = arith.addi %add3A_83, %mul3A_2 : i32
    %dma_start3A_85 = arith.constant 7 : i32
    %dma_start3A_86 = arith.constant 0 : i32
    %dma_start3A_87 = tpu.memref_slice %arg6[%dma_start3A_85, %dma_start3A_86] : memref<16x64xi32, #tpu.memory_space<vmem>> -> memref<1x64xi32, #tpu.memory_space<vmem>>
    %dma_start3A_88 = tpu.memref_squeeze %dma_start3A_87 : memref<1x64xi32, #tpu.memory_space<vmem>> -> memref<64xi32, #tpu.memory_space<vmem>>
    %dma_start3A_89 = tpu.memref_slice %arg3[%add3A_84] : memref<32768xi32, #tpu.memory_space<hbm>> -> memref<64xi32, #tpu.memory_space<hbm>>
    %dma_start3A_90 = arith.constant 0 : i32
    %dma_start3A_91 = tpu.memref_slice %arg6[%dma_start3A_85, %dma_start3A_90] : memref<16x64xi32, #tpu.memory_space<vmem>> -> memref<1x64xi32, #tpu.memory_space<vmem>>
    %dma_start3A_92 = tpu.memref_squeeze %dma_start3A_91 : memref<1x64xi32, #tpu.memory_space<vmem>> -> memref<64xi32, #tpu.memory_space<vmem>>
    %dma_start3A_93 = tpu.memref_slice %arg3[%add3A_84] : memref<32768xi32, #tpu.memory_space<hbm>> -> memref<64xi32, #tpu.memory_space<hbm>>
    tpu.enqueue_dma source(%dma_start3A_93 : memref<64xi32, #tpu.memory_space<hbm>>) target(%dma_start3A_92 : memref<64xi32, #tpu.memory_space<vmem>>) target_semaphore(%arg18 : memref<!tpu.dma_semaphore, #tpu.memory_space<semaphore_mem>>)
    %add3A_94 = arith.constant 16384 : i32
    %add3A_95 = arith.addi %add3A_94, %mul3A_2 : i32
    %dma_start3A_96 = arith.constant 8 : i32
    %dma_start3A_97 = arith.constant 0 : i32
    %dma_start3A_98 = tpu.memref_slice %arg6[%dma_start3A_96, %dma_start3A_97] : memref<16x64xi32, #tpu.memory_space<vmem>> -> memref<1x64xi32, #tpu.memory_space<vmem>>
    %dma_start3A_99 = tpu.memref_squeeze %dma_start3A_98 : memref<1x64xi32, #tpu.memory_space<vmem>> -> memref<64xi32, #tpu.memory_space<vmem>>
    %dma_start3A_100 = tpu.memref_slice %arg3[%add3A_95] : memref<32768xi32, #tpu.memory_space<hbm>> -> memref<64xi32, #tpu.memory_space<hbm>>
    %dma_start3A_101 = arith.constant 0 : i32
    %dma_start3A_102 = tpu.memref_slice %arg6[%dma_start3A_96, %dma_start3A_101] : memref<16x64xi32, #tpu.memory_space<vmem>> -> memref<1x64xi32, #tpu.memory_space<vmem>>
    %dma_start3A_103 = tpu.memref_squeeze %dma_start3A_102 : memref<1x64xi32, #tpu.memory_space<vmem>> -> memref<64xi32, #tpu.memory_space<vmem>>
    %dma_start3A_104 = tpu.memref_slice %arg3[%add3A_95] : memref<32768xi32, #tpu.memory_space<hbm>> -> memref<64xi32, #tpu.memory_space<hbm>>
    tpu.enqueue_dma source(%dma_start3A_104 : memref<64xi32, #tpu.memory_space<hbm>>) target(%dma_start3A_103 : memref<64xi32, #tpu.memory_space<vmem>>) target_semaphore(%arg18 : memref<!tpu.dma_semaphore, #tpu.memory_space<semaphore_mem>>)
    %add3A_105 = arith.constant 18432 : i32
    %add3A_106 = arith.addi %add3A_105, %mul3A_2 : i32
    %dma_start3A_107 = arith.constant 9 : i32
    %dma_start3A_108 = arith.constant 0 : i32
    %dma_start3A_109 = tpu.memref_slice %arg6[%dma_start3A_107, %dma_start3A_108] : memref<16x64xi32, #tpu.memory_space<vmem>> -> memref<1x64xi32, #tpu.memory_space<vmem>>
    %dma_start3A_110 = tpu.memref_squeeze %dma_start3A_109 : memref<1x64xi32, #tpu.memory_space<vmem>> -> memref<64xi32, #tpu.memory_space<vmem>>
    %dma_start3A_111 = tpu.memref_slice %arg3[%add3A_106] : memref<32768xi32, #tpu.memory_space<hbm>> -> memref<64xi32, #tpu.memory_space<hbm>>
    %dma_start3A_112 = arith.constant 0 : i32
    %dma_start3A_113 = tpu.memref_slice %arg6[%dma_start3A_107, %dma_start3A_112] : memref<16x64xi32, #tpu.memory_space<vmem>> -> memref<1x64xi32, #tpu.memory_space<vmem>>
    %dma_start3A_114 = tpu.memref_squeeze %dma_start3A_113 : memref<1x64xi32, #tpu.memory_space<vmem>> -> memref<64xi32, #tpu.memory_space<vmem>>
    %dma_start3A_115 = tpu.memref_slice %arg3[%add3A_106] : memref<32768xi32, #tpu.memory_space<hbm>> -> memref<64xi32, #tpu.memory_space<hbm>>
    tpu.enqueue_dma source(%dma_start3A_115 : memref<64xi32, #tpu.memory_space<hbm>>) target(%dma_start3A_114 : memref<64xi32, #tpu.memory_space<vmem>>) target_semaphore(%arg18 : memref<!tpu.dma_semaphore, #tpu.memory_space<semaphore_mem>>)
    %add3A_116 = arith.constant 20480 : i32
    %add3A_117 = arith.addi %add3A_116, %mul3A_2 : i32
    %dma_start3A_118 = arith.constant 10 : i32
    %dma_start3A_119 = arith.constant 0 : i32
    %dma_start3A_120 = tpu.memref_slice %arg6[%dma_start3A_118, %dma_start3A_119] : memref<16x64xi32, #tpu.memory_space<vmem>> -> memref<1x64xi32, #tpu.memory_space<vmem>>
    %dma_start3A_121 = tpu.memref_squeeze %dma_start3A_120 : memref<1x64xi32, #tpu.memory_space<vmem>> -> memref<64xi32, #tpu.memory_space<vmem>>
    %dma_start3A_122 = tpu.memref_slice %arg3[%add3A_117] : memref<32768xi32, #tpu.memory_space<hbm>> -> memref<64xi32, #tpu.memory_space<hbm>>
    %dma_start3A_123 = arith.constant 0 : i32
    %dma_start3A_124 = tpu.memref_slice %arg6[%dma_start3A_118, %dma_start3A_123] : memref<16x64xi32, #tpu.memory_space<vmem>> -> memref<1x64xi32, #tpu.memory_space<vmem>>
    %dma_start3A_125 = tpu.memref_squeeze %dma_start3A_124 : memref<1x64xi32, #tpu.memory_space<vmem>> -> memref<64xi32, #tpu.memory_space<vmem>>
    %dma_start3A_126 = tpu.memref_slice %arg3[%add3A_117] : memref<32768xi32, #tpu.memory_space<hbm>> -> memref<64xi32, #tpu.memory_space<hbm>>
    tpu.enqueue_dma source(%dma_start3A_126 : memref<64xi32, #tpu.memory_space<hbm>>) target(%dma_start3A_125 : memref<64xi32, #tpu.memory_space<vmem>>) target_semaphore(%arg18 : memref<!tpu.dma_semaphore, #tpu.memory_space<semaphore_mem>>)
    %add3A_127 = arith.constant 22528 : i32
    %add3A_128 = arith.addi %add3A_127, %mul3A_2 : i32
    %dma_start3A_129 = arith.constant 11 : i32
    %dma_start3A_130 = arith.constant 0 : i32
    %dma_start3A_131 = tpu.memref_slice %arg6[%dma_start3A_129, %dma_start3A_130] : memref<16x64xi32, #tpu.memory_space<vmem>> -> memref<1x64xi32, #tpu.memory_space<vmem>>
    %dma_start3A_132 = tpu.memref_squeeze %dma_start3A_131 : memref<1x64xi32, #tpu.memory_space<vmem>> -> memref<64xi32, #tpu.memory_space<vmem>>
    %dma_start3A_133 = tpu.memref_slice %arg3[%add3A_128] : memref<32768xi32, #tpu.memory_space<hbm>> -> memref<64xi32, #tpu.memory_space<hbm>>
    %dma_start3A_134 = arith.constant 0 : i32
    %dma_start3A_135 = tpu.memref_slice %arg6[%dma_start3A_129, %dma_start3A_134] : memref<16x64xi32, #tpu.memory_space<vmem>> -> memref<1x64xi32, #tpu.memory_space<vmem>>
    %dma_start3A_136 = tpu.memref_squeeze %dma_start3A_135 : memref<1x64xi32, #tpu.memory_space<vmem>> -> memref<64xi32, #tpu.memory_space<vmem>>
    %dma_start3A_137 = tpu.memref_slice %arg3[%add3A_128] : memref<32768xi32, #tpu.memory_space<hbm>> -> memref<64xi32, #tpu.memory_space<hbm>>
    tpu.enqueue_dma source(%dma_start3A_137 : memref<64xi32, #tpu.memory_space<hbm>>) target(%dma_start3A_136 : memref<64xi32, #tpu.memory_space<vmem>>) target_semaphore(%arg18 : memref<!tpu.dma_semaphore, #tpu.memory_space<semaphore_mem>>)
    %add3A_138 = arith.constant 24576 : i32
    %add3A_139 = arith.addi %add3A_138, %mul3A_2 : i32
    %dma_start3A_140 = arith.constant 12 : i32
    %dma_start3A_141 = arith.constant 0 : i32
    %dma_start3A_142 = tpu.memref_slice %arg6[%dma_start3A_140, %dma_start3A_141] : memref<16x64xi32, #tpu.memory_space<vmem>> -> memref<1x64xi32, #tpu.memory_space<vmem>>
    %dma_start3A_143 = tpu.memref_squeeze %dma_start3A_142 : memref<1x64xi32, #tpu.memory_space<vmem>> -> memref<64xi32, #tpu.memory_space<vmem>>
    %dma_start3A_144 = tpu.memref_slice %arg3[%add3A_139] : memref<32768xi32, #tpu.memory_space<hbm>> -> memref<64xi32, #tpu.memory_space<hbm>>
    %dma_start3A_145 = arith.constant 0 : i32
    %dma_start3A_146 = tpu.memref_slice %arg6[%dma_start3A_140, %dma_start3A_145] : memref<16x64xi32, #tpu.memory_space<vmem>> -> memref<1x64xi32, #tpu.memory_space<vmem>>
    %dma_start3A_147 = tpu.memref_squeeze %dma_start3A_146 : memref<1x64xi32, #tpu.memory_space<vmem>> -> memref<64xi32, #tpu.memory_space<vmem>>
    %dma_start3A_148 = tpu.memref_slice %arg3[%add3A_139] : memref<32768xi32, #tpu.memory_space<hbm>> -> memref<64xi32, #tpu.memory_space<hbm>>
    tpu.enqueue_dma source(%dma_start3A_148 : memref<64xi32, #tpu.memory_space<hbm>>) target(%dma_start3A_147 : memref<64xi32, #tpu.memory_space<vmem>>) target_semaphore(%arg18 : memref<!tpu.dma_semaphore, #tpu.memory_space<semaphore_mem>>)
    %add3A_149 = arith.constant 26624 : i32
    %add3A_150 = arith.addi %add3A_149, %mul3A_2 : i32
    %dma_start3A_151 = arith.constant 13 : i32
    %dma_start3A_152 = arith.constant 0 : i32
    %dma_start3A_153 = tpu.memref_slice %arg6[%dma_start3A_151, %dma_start3A_152] : memref<16x64xi32, #tpu.memory_space<vmem>> -> memref<1x64xi32, #tpu.memory_space<vmem>>
    %dma_start3A_154 = tpu.memref_squeeze %dma_start3A_153 : memref<1x64xi32, #tpu.memory_space<vmem>> -> memref<64xi32, #tpu.memory_space<vmem>>
    %dma_start3A_155 = tpu.memref_slice %arg3[%add3A_150] : memref<32768xi32, #tpu.memory_space<hbm>> -> memref<64xi32, #tpu.memory_space<hbm>>
    %dma_start3A_156 = arith.constant 0 : i32
    %dma_start3A_157 = tpu.memref_slice %arg6[%dma_start3A_151, %dma_start3A_156] : memref<16x64xi32, #tpu.memory_space<vmem>> -> memref<1x64xi32, #tpu.memory_space<vmem>>
    %dma_start3A_158 = tpu.memref_squeeze %dma_start3A_157 : memref<1x64xi32, #tpu.memory_space<vmem>> -> memref<64xi32, #tpu.memory_space<vmem>>
    %dma_start3A_159 = tpu.memref_slice %arg3[%add3A_150] : memref<32768xi32, #tpu.memory_space<hbm>> -> memref<64xi32, #tpu.memory_space<hbm>>
    tpu.enqueue_dma source(%dma_start3A_159 : memref<64xi32, #tpu.memory_space<hbm>>) target(%dma_start3A_158 : memref<64xi32, #tpu.memory_space<vmem>>) target_semaphore(%arg18 : memref<!tpu.dma_semaphore, #tpu.memory_space<semaphore_mem>>)
    %add3A_160 = arith.constant 28672 : i32
    %add3A_161 = arith.addi %add3A_160, %mul3A_2 : i32
    %dma_start3A_162 = arith.constant 14 : i32
    %dma_start3A_163 = arith.constant 0 : i32
    %dma_start3A_164 = tpu.memref_slice %arg6[%dma_start3A_162, %dma_start3A_163] : memref<16x64xi32, #tpu.memory_space<vmem>> -> memref<1x64xi32, #tpu.memory_space<vmem>>
    %dma_start3A_165 = tpu.memref_squeeze %dma_start3A_164 : memref<1x64xi32, #tpu.memory_space<vmem>> -> memref<64xi32, #tpu.memory_space<vmem>>
    %dma_start3A_166 = tpu.memref_slice %arg3[%add3A_161] : memref<32768xi32, #tpu.memory_space<hbm>> -> memref<64xi32, #tpu.memory_space<hbm>>
    %dma_start3A_167 = arith.constant 0 : i32
    %dma_start3A_168 = tpu.memref_slice %arg6[%dma_start3A_162, %dma_start3A_167] : memref<16x64xi32, #tpu.memory_space<vmem>> -> memref<1x64xi32, #tpu.memory_space<vmem>>
    %dma_start3A_169 = tpu.memref_squeeze %dma_start3A_168 : memref<1x64xi32, #tpu.memory_space<vmem>> -> memref<64xi32, #tpu.memory_space<vmem>>
    %dma_start3A_170 = tpu.memref_slice %arg3[%add3A_161] : memref<32768xi32, #tpu.memory_space<hbm>> -> memref<64xi32, #tpu.memory_space<hbm>>
    tpu.enqueue_dma source(%dma_start3A_170 : memref<64xi32, #tpu.memory_space<hbm>>) target(%dma_start3A_169 : memref<64xi32, #tpu.memory_space<vmem>>) target_semaphore(%arg18 : memref<!tpu.dma_semaphore, #tpu.memory_space<semaphore_mem>>)
    %add3A_171 = arith.constant 30720 : i32
    %add3A_172 = arith.addi %add3A_171, %mul3A_2 : i32
    %dma_start3A_173 = arith.constant 15 : i32
    %dma_start3A_174 = arith.constant 0 : i32
    %dma_start3A_175 = tpu.memref_slice %arg6[%dma_start3A_173, %dma_start3A_174] : memref<16x64xi32, #tpu.memory_space<vmem>> -> memref<1x64xi32, #tpu.memory_space<vmem>>
    %dma_start3A_176 = tpu.memref_squeeze %dma_start3A_175 : memref<1x64xi32, #tpu.memory_space<vmem>> -> memref<64xi32, #tpu.memory_space<vmem>>
    %dma_start3A_177 = tpu.memref_slice %arg3[%add3A_172] : memref<32768xi32, #tpu.memory_space<hbm>> -> memref<64xi32, #tpu.memory_space<hbm>>
    %dma_start3A_178 = arith.constant 0 : i32
    %dma_start3A_179 = tpu.memref_slice %arg6[%dma_start3A_173, %dma_start3A_178] : memref<16x64xi32, #tpu.memory_space<vmem>> -> memref<1x64xi32, #tpu.memory_space<vmem>>
    %dma_start3A_180 = tpu.memref_squeeze %dma_start3A_179 : memref<1x64xi32, #tpu.memory_space<vmem>> -> memref<64xi32, #tpu.memory_space<vmem>>
    %dma_start3A_181 = tpu.memref_slice %arg3[%add3A_172] : memref<32768xi32, #tpu.memory_space<hbm>> -> memref<64xi32, #tpu.memory_space<hbm>>
    tpu.enqueue_dma source(%dma_start3A_181 : memref<64xi32, #tpu.memory_space<hbm>>) target(%dma_start3A_180 : memref<64xi32, #tpu.memory_space<vmem>>) target_semaphore(%arg18 : memref<!tpu.dma_semaphore, #tpu.memory_space<semaphore_mem>>)
    %dma_wait3A = arith.constant 0 : i32
    %dma_wait3A_182 = arith.constant 0 : i32
    %dma_wait3A_183 = tpu.memref_slice %arg6[%dma_wait3A, %dma_wait3A_182] : memref<16x64xi32, #tpu.memory_space<vmem>> -> memref<1x64xi32, #tpu.memory_space<vmem>>
    %dma_wait3A_184 = tpu.memref_squeeze %dma_wait3A_183 : memref<1x64xi32, #tpu.memory_space<vmem>> -> memref<64xi32, #tpu.memory_space<vmem>>
    %dma_wait3A_185 = arith.constant 0 : i32
    %dma_wait3A_186 = tpu.memref_slice %arg3[%dma_wait3A_185] : memref<32768xi32, #tpu.memory_space<hbm>> -> memref<64xi32, #tpu.memory_space<hbm>>
    %dma_wait3A_187 = arith.constant 0 : i32
    %dma_wait3A_188 = tpu.memref_slice %arg6[%dma_wait3A, %dma_wait3A_187] : memref<16x64xi32, #tpu.memory_space<vmem>> -> memref<1x64xi32, #tpu.memory_space<vmem>>
    %dma_wait3A_189 = tpu.memref_squeeze %dma_wait3A_188 : memref<1x64xi32, #tpu.memory_space<vmem>> -> memref<64xi32, #tpu.memory_space<vmem>>
    %dma_wait3A_190 = arith.constant 0 : i32
    %dma_wait3A_191 = tpu.memref_slice %arg3[%dma_wait3A_190] : memref<32768xi32, #tpu.memory_space<hbm>> -> memref<64xi32, #tpu.memory_space<hbm>>
    tpu.wait_dma2 semaphore(%arg18 : memref<!tpu.dma_semaphore, #tpu.memory_space<semaphore_mem>>) src(%dma_wait3A_191 : memref<64xi32, #tpu.memory_space<hbm>>) dst(%dma_wait3A_189 : memref<64xi32, #tpu.memory_space<vmem>>)
    %dma_wait3A_192 = arith.constant 0 : i32
    %dma_wait3A_193 = arith.constant 0 : i32
    %dma_wait3A_194 = tpu.memref_slice %arg6[%dma_wait3A_192, %dma_wait3A_193] : memref<16x64xi32, #tpu.memory_space<vmem>> -> memref<1x64xi32, #tpu.memory_space<vmem>>
    %dma_wait3A_195 = tpu.memref_squeeze %dma_wait3A_194 : memref<1x64xi32, #tpu.memory_space<vmem>> -> memref<64xi32, #tpu.memory_space<vmem>>
    %dma_wait3A_196 = arith.constant 0 : i32
    %dma_wait3A_197 = tpu.memref_slice %arg3[%dma_wait3A_196] : memref<32768xi32, #tpu.memory_space<hbm>> -> memref<64xi32, #tpu.memory_space<hbm>>
    %dma_wait3A_198 = arith.constant 0 : i32
    %dma_wait3A_199 = tpu.memref_slice %arg6[%dma_wait3A_192, %dma_wait3A_198] : memref<16x64xi32, #tpu.memory_space<vmem>> -> memref<1x64xi32, #tpu.memory_space<vmem>>
    %dma_wait3A_200 = tpu.memref_squeeze %dma_wait3A_199 : memref<1x64xi32, #tpu.memory_space<vmem>> -> memref<64xi32, #tpu.memory_space<vmem>>
    %dma_wait3A_201 = arith.constant 0 : i32
    %dma_wait3A_202 = tpu.memref_slice %arg3[%dma_wait3A_201] : memref<32768xi32, #tpu.memory_space<hbm>> -> memref<64xi32, #tpu.memory_space<hbm>>
    tpu.wait_dma2 semaphore(%arg18 : memref<!tpu.dma_semaphore, #tpu.memory_space<semaphore_mem>>) src(%dma_wait3A_202 : memref<64xi32, #tpu.memory_space<hbm>>) dst(%dma_wait3A_200 : memref<64xi32, #tpu.memory_space<vmem>>)
    %dma_wait3A_203 = arith.constant 0 : i32
    %dma_wait3A_204 = arith.constant 0 : i32
    %dma_wait3A_205 = tpu.memref_slice %arg6[%dma_wait3A_203, %dma_wait3A_204] : memref<16x64xi32, #tpu.memory_space<vmem>> -> memref<1x64xi32, #tpu.memory_space<vmem>>
    %dma_wait3A_206 = tpu.memref_squeeze %dma_wait3A_205 : memref<1x64xi32, #tpu.memory_space<vmem>> -> memref<64xi32, #tpu.memory_space<vmem>>
    %dma_wait3A_207 = arith.constant 0 : i32
    %dma_wait3A_208 = tpu.memref_slice %arg3[%dma_wait3A_207] : memref<32768xi32, #tpu.memory_space<hbm>> -> memref<64xi32, #tpu.memory_space<hbm>>
    %dma_wait3A_209 = arith.constant 0 : i32
    %dma_wait3A_210 = tpu.memref_slice %arg6[%dma_wait3A_203, %dma_wait3A_209] : memref<16x64xi32, #tpu.memory_space<vmem>> -> memref<1x64xi32, #tpu.memory_space<vmem>>
    %dma_wait3A_211 = tpu.memref_squeeze %dma_wait3A_210 : memref<1x64xi32, #tpu.memory_space<vmem>> -> memref<64xi32, #tpu.memory_space<vmem>>
    %dma_wait3A_212 = arith.constant 0 : i32
    %dma_wait3A_213 = tpu.memref_slice %arg3[%dma_wait3A_212] : memref<32768xi32, #tpu.memory_space<hbm>> -> memref<64xi32, #tpu.memory_space<hbm>>
    tpu.wait_dma2 semaphore(%arg18 : memref<!tpu.dma_semaphore, #tpu.memory_space<semaphore_mem>>) src(%dma_wait3A_213 : memref<64xi32, #tpu.memory_space<hbm>>) dst(%dma_wait3A_211 : memref<64xi32, #tpu.memory_space<vmem>>)
    %dma_wait3A_214 = arith.constant 0 : i32
    %dma_wait3A_215 = arith.constant 0 : i32
    %dma_wait3A_216 = tpu.memref_slice %arg6[%dma_wait3A_214, %dma_wait3A_215] : memref<16x64xi32, #tpu.memory_space<vmem>> -> memref<1x64xi32, #tpu.memory_space<vmem>>
    %dma_wait3A_217 = tpu.memref_squeeze %dma_wait3A_216 : memref<1x64xi32, #tpu.memory_space<vmem>> -> memref<64xi32, #tpu.memory_space<vmem>>
    %dma_wait3A_218 = arith.constant 0 : i32
    %dma_wait3A_219 = tpu.memref_slice %arg3[%dma_wait3A_218] : memref<32768xi32, #tpu.memory_space<hbm>> -> memref<64xi32, #tpu.memory_space<hbm>>
    %dma_wait3A_220 = arith.constant 0 : i32
    %dma_wait3A_221 = tpu.memref_slice %arg6[%dma_wait3A_214, %dma_wait3A_220] : memref<16x64xi32, #tpu.memory_space<vmem>> -> memref<1x64xi32, #tpu.memory_space<vmem>>
    %dma_wait3A_222 = tpu.memref_squeeze %dma_wait3A_221 : memref<1x64xi32, #tpu.memory_space<vmem>> -> memref<64xi32, #tpu.memory_space<vmem>>
    %dma_wait3A_223 = arith.constant 0 : i32
    %dma_wait3A_224 = tpu.memref_slice %arg3[%dma_wait3A_223] : memref<32768xi32, #tpu.memory_space<hbm>> -> memref<64xi32, #tpu.memory_space<hbm>>
    tpu.wait_dma2 semaphore(%arg18 : memref<!tpu.dma_semaphore, #tpu.memory_space<semaphore_mem>>) src(%dma_wait3A_224 : memref<64xi32, #tpu.memory_space<hbm>>) dst(%dma_wait3A_222 : memref<64xi32, #tpu.memory_space<vmem>>)
    %dma_wait3A_225 = arith.constant 0 : i32
    %dma_wait3A_226 = arith.constant 0 : i32
    %dma_wait3A_227 = tpu.memref_slice %arg6[%dma_wait3A_225, %dma_wait3A_226] : memref<16x64xi32, #tpu.memory_space<vmem>> -> memref<1x64xi32, #tpu.memory_space<vmem>>
    %dma_wait3A_228 = tpu.memref_squeeze %dma_wait3A_227 : memref<1x64xi32, #tpu.memory_space<vmem>> -> memref<64xi32, #tpu.memory_space<vmem>>
    %dma_wait3A_229 = arith.constant 0 : i32
    %dma_wait3A_230 = tpu.memref_slice %arg3[%dma_wait3A_229] : memref<32768xi32, #tpu.memory_space<hbm>> -> memref<64xi32, #tpu.memory_space<hbm>>
    %dma_wait3A_231 = arith.constant 0 : i32
    %dma_wait3A_232 = tpu.memref_slice %arg6[%dma_wait3A_225, %dma_wait3A_231] : memref<16x64xi32, #tpu.memory_space<vmem>> -> memref<1x64xi32, #tpu.memory_space<vmem>>
    %dma_wait3A_233 = tpu.memref_squeeze %dma_wait3A_232 : memref<1x64xi32, #tpu.memory_space<vmem>> -> memref<64xi32, #tpu.memory_space<vmem>>
    %dma_wait3A_234 = arith.constant 0 : i32
    %dma_wait3A_235 = tpu.memref_slice %arg3[%dma_wait3A_234] : memref<32768xi32, #tpu.memory_space<hbm>> -> memref<64xi32, #tpu.memory_space<hbm>>
    tpu.wait_dma2 semaphore(%arg18 : memref<!tpu.dma_semaphore, #tpu.memory_space<semaphore_mem>>) src(%dma_wait3A_235 : memref<64xi32, #tpu.memory_space<hbm>>) dst(%dma_wait3A_233 : memref<64xi32, #tpu.memory_space<vmem>>)
    %dma_wait3A_236 = arith.constant 0 : i32
    %dma_wait3A_237 = arith.constant 0 : i32
    %dma_wait3A_238 = tpu.memref_slice %arg6[%dma_wait3A_236, %dma_wait3A_237] : memref<16x64xi32, #tpu.memory_space<vmem>> -> memref<1x64xi32, #tpu.memory_space<vmem>>
    %dma_wait3A_239 = tpu.memref_squeeze %dma_wait3A_238 : memref<1x64xi32, #tpu.memory_space<vmem>> -> memref<64xi32, #tpu.memory_space<vmem>>
    %dma_wait3A_240 = arith.constant 0 : i32
    %dma_wait3A_241 = tpu.memref_slice %arg3[%dma_wait3A_240] : memref<32768xi32, #tpu.memory_space<hbm>> -> memref<64xi32, #tpu.memory_space<hbm>>
    %dma_wait3A_242 = arith.constant 0 : i32
    %dma_wait3A_243 = tpu.memref_slice %arg6[%dma_wait3A_236, %dma_wait3A_242] : memref<16x64xi32, #tpu.memory_space<vmem>> -> memref<1x64xi32, #tpu.memory_space<vmem>>
    %dma_wait3A_244 = tpu.memref_squeeze %dma_wait3A_243 : memref<1x64xi32, #tpu.memory_space<vmem>> -> memref<64xi32, #tpu.memory_space<vmem>>
    %dma_wait3A_245 = arith.constant 0 : i32
    %dma_wait3A_246 = tpu.memref_slice %arg3[%dma_wait3A_245] : memref<32768xi32, #tpu.memory_space<hbm>> -> memref<64xi32, #tpu.memory_space<hbm>>
    tpu.wait_dma2 semaphore(%arg18 : memref<!tpu.dma_semaphore, #tpu.memory_space<semaphore_mem>>) src(%dma_wait3A_246 : memref<64xi32, #tpu.memory_space<hbm>>) dst(%dma_wait3A_244 : memref<64xi32, #tpu.memory_space<vmem>>)
    %dma_wait3A_247 = arith.constant 0 : i32
    %dma_wait3A_248 = arith.constant 0 : i32
    %dma_wait3A_249 = tpu.memref_slice %arg6[%dma_wait3A_247, %dma_wait3A_248] : memref<16x64xi32, #tpu.memory_space<vmem>> -> memref<1x64xi32, #tpu.memory_space<vmem>>
    %dma_wait3A_250 = tpu.memref_squeeze %dma_wait3A_249 : memref<1x64xi32, #tpu.memory_space<vmem>> -> memref<64xi32, #tpu.memory_space<vmem>>
    %dma_wait3A_251 = arith.constant 0 : i32
    %dma_wait3A_252 = tpu.memref_slice %arg3[%dma_wait3A_251] : memref<32768xi32, #tpu.memory_space<hbm>> -> memref<64xi32, #tpu.memory_space<hbm>>
    %dma_wait3A_253 = arith.constant 0 : i32
    %dma_wait3A_254 = tpu.memref_slice %arg6[%dma_wait3A_247, %dma_wait3A_253] : memref<16x64xi32, #tpu.memory_space<vmem>> -> memref<1x64xi32, #tpu.memory_space<vmem>>
    %dma_wait3A_255 = tpu.memref_squeeze %dma_wait3A_254 : memref<1x64xi32, #tpu.memory_space<vmem>> -> memref<64xi32, #tpu.memory_space<vmem>>
    %dma_wait3A_256 = arith.constant 0 : i32
    %dma_wait3A_257 = tpu.memref_slice %arg3[%dma_wait3A_256] : memref<32768xi32, #tpu.memory_space<hbm>> -> memref<64xi32, #tpu.memory_space<hbm>>
    tpu.wait_dma2 semaphore(%arg18 : memref<!tpu.dma_semaphore, #tpu.memory_space<semaphore_mem>>) src(%dma_wait3A_257 : memref<64xi32, #tpu.memory_space<hbm>>) dst(%dma_wait3A_255 : memref<64xi32, #tpu.memory_space<vmem>>)
    %dma_wait3A_258 = arith.constant 0 : i32
    %dma_wait3A_259 = arith.constant 0 : i32
    %dma_wait3A_260 = tpu.memref_slice %arg6[%dma_wait3A_258, %dma_wait3A_259] : memref<16x64xi32, #tpu.memory_space<vmem>> -> memref<1x64xi32, #tpu.memory_space<vmem>>
    %dma_wait3A_261 = tpu.memref_squeeze %dma_wait3A_260 : memref<1x64xi32, #tpu.memory_space<vmem>> -> memref<64xi32, #tpu.memory_space<vmem>>
    %dma_wait3A_262 = arith.constant 0 : i32
    %dma_wait3A_263 = tpu.memref_slice %arg3[%dma_wait3A_262] : memref<32768xi32, #tpu.memory_space<hbm>> -> memref<64xi32, #tpu.memory_space<hbm>>
    %dma_wait3A_264 = arith.constant 0 : i32
    %dma_wait3A_265 = tpu.memref_slice %arg6[%dma_wait3A_258, %dma_wait3A_264] : memref<16x64xi32, #tpu.memory_space<vmem>> -> memref<1x64xi32, #tpu.memory_space<vmem>>
    %dma_wait3A_266 = tpu.memref_squeeze %dma_wait3A_265 : memref<1x64xi32, #tpu.memory_space<vmem>> -> memref<64xi32, #tpu.memory_space<vmem>>
    %dma_wait3A_267 = arith.constant 0 : i32
    %dma_wait3A_268 = tpu.memref_slice %arg3[%dma_wait3A_267] : memref<32768xi32, #tpu.memory_space<hbm>> -> memref<64xi32, #tpu.memory_space<hbm>>
    tpu.wait_dma2 semaphore(%arg18 : memref<!tpu.dma_semaphore, #tpu.memory_space<semaphore_mem>>) src(%dma_wait3A_268 : memref<64xi32, #tpu.memory_space<hbm>>) dst(%dma_wait3A_266 : memref<64xi32, #tpu.memory_space<vmem>>)
    %dma_wait3A_269 = arith.constant 0 : i32
    %dma_wait3A_270 = arith.constant 0 : i32
    %dma_wait3A_271 = tpu.memref_slice %arg6[%dma_wait3A_269, %dma_wait3A_270] : memref<16x64xi32, #tpu.memory_space<vmem>> -> memref<1x64xi32, #tpu.memory_space<vmem>>
    %dma_wait3A_272 = tpu.memref_squeeze %dma_wait3A_271 : memref<1x64xi32, #tpu.memory_space<vmem>> -> memref<64xi32, #tpu.memory_space<vmem>>
    %dma_wait3A_273 = arith.constant 0 : i32
    %dma_wait3A_274 = tpu.memref_slice %arg3[%dma_wait3A_273] : memref<32768xi32, #tpu.memory_space<hbm>> -> memref<64xi32, #tpu.memory_space<hbm>>
    %dma_wait3A_275 = arith.constant 0 : i32
    %dma_wait3A_276 = tpu.memref_slice %arg6[%dma_wait3A_269, %dma_wait3A_275] : memref<16x64xi32, #tpu.memory_space<vmem>> -> memref<1x64xi32, #tpu.memory_space<vmem>>
    %dma_wait3A_277 = tpu.memref_squeeze %dma_wait3A_276 : memref<1x64xi32, #tpu.memory_space<vmem>> -> memref<64xi32, #tpu.memory_space<vmem>>
    %dma_wait3A_278 = arith.constant 0 : i32
    %dma_wait3A_279 = tpu.memref_slice %arg3[%dma_wait3A_278] : memref<32768xi32, #tpu.memory_space<hbm>> -> memref<64xi32, #tpu.memory_space<hbm>>
    tpu.wait_dma2 semaphore(%arg18 : memref<!tpu.dma_semaphore, #tpu.memory_space<semaphore_mem>>) src(%dma_wait3A_279 : memref<64xi32, #tpu.memory_space<hbm>>) dst(%dma_wait3A_277 : memref<64xi32, #tpu.memory_space<vmem>>)
    %dma_wait3A_280 = arith.constant 0 : i32
    %dma_wait3A_281 = arith.constant 0 : i32
    %dma_wait3A_282 = tpu.memref_slice %arg6[%dma_wait3A_280, %dma_wait3A_281] : memref<16x64xi32, #tpu.memory_space<vmem>> -> memref<1x64xi32, #tpu.memory_space<vmem>>
    %dma_wait3A_283 = tpu.memref_squeeze %dma_wait3A_282 : memref<1x64xi32, #tpu.memory_space<vmem>> -> memref<64xi32, #tpu.memory_space<vmem>>
    %dma_wait3A_284 = arith.constant 0 : i32
    %dma_wait3A_285 = tpu.memref_slice %arg3[%dma_wait3A_284] : memref<32768xi32, #tpu.memory_space<hbm>> -> memref<64xi32, #tpu.memory_space<hbm>>
    %dma_wait3A_286 = arith.constant 0 : i32
    %dma_wait3A_287 = tpu.memref_slice %arg6[%dma_wait3A_280, %dma_wait3A_286] : memref<16x64xi32, #tpu.memory_space<vmem>> -> memref<1x64xi32, #tpu.memory_space<vmem>>
    %dma_wait3A_288 = tpu.memref_squeeze %dma_wait3A_287 : memref<1x64xi32, #tpu.memory_space<vmem>> -> memref<64xi32, #tpu.memory_space<vmem>>
    %dma_wait3A_289 = arith.constant 0 : i32
    %dma_wait3A_290 = tpu.memref_slice %arg3[%dma_wait3A_289] : memref<32768xi32, #tpu.memory_space<hbm>> -> memref<64xi32, #tpu.memory_space<hbm>>
    tpu.wait_dma2 semaphore(%arg18 : memref<!tpu.dma_semaphore, #tpu.memory_space<semaphore_mem>>) src(%dma_wait3A_290 : memref<64xi32, #tpu.memory_space<hbm>>) dst(%dma_wait3A_288 : memref<64xi32, #tpu.memory_space<vmem>>)
    %dma_wait3A_291 = arith.constant 0 : i32
    %dma_wait3A_292 = arith.constant 0 : i32
    %dma_wait3A_293 = tpu.memref_slice %arg6[%dma_wait3A_291, %dma_wait3A_292] : memref<16x64xi32, #tpu.memory_space<vmem>> -> memref<1x64xi32, #tpu.memory_space<vmem>>
    %dma_wait3A_294 = tpu.memref_squeeze %dma_wait3A_293 : memref<1x64xi32, #tpu.memory_space<vmem>> -> memref<64xi32, #tpu.memory_space<vmem>>
    %dma_wait3A_295 = arith.constant 0 : i32
    %dma_wait3A_296 = tpu.memref_slice %arg3[%dma_wait3A_295] : memref<32768xi32, #tpu.memory_space<hbm>> -> memref<64xi32, #tpu.memory_space<hbm>>
    %dma_wait3A_297 = arith.constant 0 : i32
    %dma_wait3A_298 = tpu.memref_slice %arg6[%dma_wait3A_291, %dma_wait3A_297] : memref<16x64xi32, #tpu.memory_space<vmem>> -> memref<1x64xi32, #tpu.memory_space<vmem>>
    %dma_wait3A_299 = tpu.memref_squeeze %dma_wait3A_298 : memref<1x64xi32, #tpu.memory_space<vmem>> -> memref<64xi32, #tpu.memory_space<vmem>>
    %dma_wait3A_300 = arith.constant 0 : i32
    %dma_wait3A_301 = tpu.memref_slice %arg3[%dma_wait3A_300] : memref<32768xi32, #tpu.memory_space<hbm>> -> memref<64xi32, #tpu.memory_space<hbm>>
    tpu.wait_dma2 semaphore(%arg18 : memref<!tpu.dma_semaphore, #tpu.memory_space<semaphore_mem>>) src(%dma_wait3A_301 : memref<64xi32, #tpu.memory_space<hbm>>) dst(%dma_wait3A_299 : memref<64xi32, #tpu.memory_space<vmem>>)
    %dma_wait3A_302 = arith.constant 0 : i32
    %dma_wait3A_303 = arith.constant 0 : i32
    %dma_wait3A_304 = tpu.memref_slice %arg6[%dma_wait3A_302, %dma_wait3A_303] : memref<16x64xi32, #tpu.memory_space<vmem>> -> memref<1x64xi32, #tpu.memory_space<vmem>>
    %dma_wait3A_305 = tpu.memref_squeeze %dma_wait3A_304 : memref<1x64xi32, #tpu.memory_space<vmem>> -> memref<64xi32, #tpu.memory_space<vmem>>
    %dma_wait3A_306 = arith.constant 0 : i32
    %dma_wait3A_307 = tpu.memref_slice %arg3[%dma_wait3A_306] : memref<32768xi32, #tpu.memory_space<hbm>> -> memref<64xi32, #tpu.memory_space<hbm>>
    %dma_wait3A_308 = arith.constant 0 : i32
    %dma_wait3A_309 = tpu.memref_slice %arg6[%dma_wait3A_302, %dma_wait3A_308] : memref<16x64xi32, #tpu.memory_space<vmem>> -> memref<1x64xi32, #tpu.memory_space<vmem>>
    %dma_wait3A_310 = tpu.memref_squeeze %dma_wait3A_309 : memref<1x64xi32, #tpu.memory_space<vmem>> -> memref<64xi32, #tpu.memory_space<vmem>>
    %dma_wait3A_311 = arith.constant 0 : i32
    %dma_wait3A_312 = tpu.memref_slice %arg3[%dma_wait3A_311] : memref<32768xi32, #tpu.memory_space<hbm>> -> memref<64xi32, #tpu.memory_space<hbm>>
    tpu.wait_dma2 semaphore(%arg18 : memref<!tpu.dma_semaphore, #tpu.memory_space<semaphore_mem>>) src(%dma_wait3A_312 : memref<64xi32, #tpu.memory_space<hbm>>) dst(%dma_wait3A_310 : memref<64xi32, #tpu.memory_space<vmem>>)
    %dma_wait3A_313 = arith.constant 0 : i32
    %dma_wait3A_314 = arith.constant 0 : i32
    %dma_wait3A_315 = tpu.memref_slice %arg6[%dma_wait3A_313, %dma_wait3A_314] : memref<16x64xi32, #tpu.memory_space<vmem>> -> memref<1x64xi32, #tpu.memory_space<vmem>>
    %dma_wait3A_316 = tpu.memref_squeeze %dma_wait3A_315 : memref<1x64xi32, #tpu.memory_space<vmem>> -> memref<64xi32, #tpu.memory_space<vmem>>
    %dma_wait3A_317 = arith.constant 0 : i32
    %dma_wait3A_318 = tpu.memref_slice %arg3[%dma_wait3A_317] : memref<32768xi32, #tpu.memory_space<hbm>> -> memref<64xi32, #tpu.memory_space<hbm>>
    %dma_wait3A_319 = arith.constant 0 : i32
    %dma_wait3A_320 = tpu.memref_slice %arg6[%dma_wait3A_313, %dma_wait3A_319] : memref<16x64xi32, #tpu.memory_space<vmem>> -> memref<1x64xi32, #tpu.memory_space<vmem>>
    %dma_wait3A_321 = tpu.memref_squeeze %dma_wait3A_320 : memref<1x64xi32, #tpu.memory_space<vmem>> -> memref<64xi32, #tpu.memory_space<vmem>>
    %dma_wait3A_322 = arith.constant 0 : i32
    %dma_wait3A_323 = tpu.memref_slice %arg3[%dma_wait3A_322] : memref<32768xi32, #tpu.memory_space<hbm>> -> memref<64xi32, #tpu.memory_space<hbm>>
    tpu.wait_dma2 semaphore(%arg18 : memref<!tpu.dma_semaphore, #tpu.memory_space<semaphore_mem>>) src(%dma_wait3A_323 : memref<64xi32, #tpu.memory_space<hbm>>) dst(%dma_wait3A_321 : memref<64xi32, #tpu.memory_space<vmem>>)
    %dma_wait3A_324 = arith.constant 0 : i32
    %dma_wait3A_325 = arith.constant 0 : i32
    %dma_wait3A_326 = tpu.memref_slice %arg6[%dma_wait3A_324, %dma_wait3A_325] : memref<16x64xi32, #tpu.memory_space<vmem>> -> memref<1x64xi32, #tpu.memory_space<vmem>>
    %dma_wait3A_327 = tpu.memref_squeeze %dma_wait3A_326 : memref<1x64xi32, #tpu.memory_space<vmem>> -> memref<64xi32, #tpu.memory_space<vmem>>
    %dma_wait3A_328 = arith.constant 0 : i32
    %dma_wait3A_329 = tpu.memref_slice %arg3[%dma_wait3A_328] : memref<32768xi32, #tpu.memory_space<hbm>> -> memref<64xi32, #tpu.memory_space<hbm>>
    %dma_wait3A_330 = arith.constant 0 : i32
    %dma_wait3A_331 = tpu.memref_slice %arg6[%dma_wait3A_324, %dma_wait3A_330] : memref<16x64xi32, #tpu.memory_space<vmem>> -> memref<1x64xi32, #tpu.memory_space<vmem>>
    %dma_wait3A_332 = tpu.memref_squeeze %dma_wait3A_331 : memref<1x64xi32, #tpu.memory_space<vmem>> -> memref<64xi32, #tpu.memory_space<vmem>>
    %dma_wait3A_333 = arith.constant 0 : i32
    %dma_wait3A_334 = tpu.memref_slice %arg3[%dma_wait3A_333] : memref<32768xi32, #tpu.memory_space<hbm>> -> memref<64xi32, #tpu.memory_space<hbm>>
    tpu.wait_dma2 semaphore(%arg18 : memref<!tpu.dma_semaphore, #tpu.memory_space<semaphore_mem>>) src(%dma_wait3A_334 : memref<64xi32, #tpu.memory_space<hbm>>) dst(%dma_wait3A_332 : memref<64xi32, #tpu.memory_space<vmem>>)
    %dma_wait3A_335 = arith.constant 0 : i32
    %dma_wait3A_336 = arith.constant 0 : i32
    %dma_wait3A_337 = tpu.memref_slice %arg6[%dma_wait3A_335, %dma_wait3A_336] : memref<16x64xi32, #tpu.memory_space<vmem>> -> memref<1x64xi32, #tpu.memory_space<vmem>>
    %dma_wait3A_338 = tpu.memref_squeeze %dma_wait3A_337 : memref<1x64xi32, #tpu.memory_space<vmem>> -> memref<64xi32, #tpu.memory_space<vmem>>
    %dma_wait3A_339 = arith.constant 0 : i32
    %dma_wait3A_340 = tpu.memref_slice %arg3[%dma_wait3A_339] : memref<32768xi32, #tpu.memory_space<hbm>> -> memref<64xi32, #tpu.memory_space<hbm>>
    %dma_wait3A_341 = arith.constant 0 : i32
    %dma_wait3A_342 = tpu.memref_slice %arg6[%dma_wait3A_335, %dma_wait3A_341] : memref<16x64xi32, #tpu.memory_space<vmem>> -> memref<1x64xi32, #tpu.memory_space<vmem>>
    %dma_wait3A_343 = tpu.memref_squeeze %dma_wait3A_342 : memref<1x64xi32, #tpu.memory_space<vmem>> -> memref<64xi32, #tpu.memory_space<vmem>>
    %dma_wait3A_344 = arith.constant 0 : i32
    %dma_wait3A_345 = tpu.memref_slice %arg3[%dma_wait3A_344] : memref<32768xi32, #tpu.memory_space<hbm>> -> memref<64xi32, #tpu.memory_space<hbm>>
    tpu.wait_dma2 semaphore(%arg18 : memref<!tpu.dma_semaphore, #tpu.memory_space<semaphore_mem>>) src(%dma_wait3A_345 : memref<64xi32, #tpu.memory_space<hbm>>) dst(%dma_wait3A_343 : memref<64xi32, #tpu.memory_space<vmem>>)
    %dma_wait3A_346 = arith.constant 0 : i32
    %dma_wait3A_347 = arith.constant 0 : i32
    %dma_wait3A_348 = tpu.memref_slice %arg6[%dma_wait3A_346, %dma_wait3A_347] : memref<16x64xi32, #tpu.memory_space<vmem>> -> memref<1x64xi32, #tpu.memory_space<vmem>>
    %dma_wait3A_349 = tpu.memref_squeeze %dma_wait3A_348 : memref<1x64xi32, #tpu.memory_space<vmem>> -> memref<64xi32, #tpu.memory_space<vmem>>
    %dma_wait3A_350 = arith.constant 0 : i32
    %dma_wait3A_351 = tpu.memref_slice %arg3[%dma_wait3A_350] : memref<32768xi32, #tpu.memory_space<hbm>> -> memref<64xi32, #tpu.memory_space<hbm>>
    %dma_wait3A_352 = arith.constant 0 : i32
    %dma_wait3A_353 = tpu.memref_slice %arg6[%dma_wait3A_346, %dma_wait3A_352] : memref<16x64xi32, #tpu.memory_space<vmem>> -> memref<1x64xi32, #tpu.memory_space<vmem>>
    %dma_wait3A_354 = tpu.memref_squeeze %dma_wait3A_353 : memref<1x64xi32, #tpu.memory_space<vmem>> -> memref<64xi32, #tpu.memory_space<vmem>>
    %dma_wait3A_355 = arith.constant 0 : i32
    %dma_wait3A_356 = tpu.memref_slice %arg3[%dma_wait3A_355] : memref<32768xi32, #tpu.memory_space<hbm>> -> memref<64xi32, #tpu.memory_space<hbm>>
    tpu.wait_dma2 semaphore(%arg18 : memref<!tpu.dma_semaphore, #tpu.memory_space<semaphore_mem>>) src(%dma_wait3A_356 : memref<64xi32, #tpu.memory_space<hbm>>) dst(%dma_wait3A_354 : memref<64xi32, #tpu.memory_space<vmem>>)
    %multiple_of3A = arith.constant 0 : i32
    %multiple_of3A_357 = tpu.assume_multiple %multiple_of3A, 16 : i32
    %dma_start3A_358 = arith.constant 0 : i32
    %dma_start3A_359 = tpu.memref_slice %arg6[%dma_start3A_358, %multiple_of3A_357] : memref<16x64xi32, #tpu.memory_space<vmem>> -> memref<1x16xi32, #tpu.memory_space<vmem>>
    %dma_start3A_360 = tpu.memref_squeeze %dma_start3A_359 : memref<1x16xi32, #tpu.memory_space<vmem>> -> memref<16xi32, #tpu.memory_space<vmem>>
    %dma_start3A_361 = arith.constant 0 : i32
    %dma_start3A_362 = arith.constant 0 : i32
    %dma_start3A_363 = tpu.memref_slice %arg2[%dma_start3A_361, %dma_start3A_362] : memref<100000x1024xf32, #tpu.memory_space<hbm>> -> memref<100000x1024xf32, #tpu.memory_space<hbm>>
    tpu.enqueue_indirect_dma source(%dma_start3A_363 : memref<100000x1024xf32, #tpu.memory_space<hbm>>) target(%arg8 : memref<16x1024xf32, #tpu.memory_space<vmem>>) offsets(%dma_start3A_360 : memref<16xi32, #tpu.memory_space<vmem>>) semaphore(%arg11 : memref<!tpu.dma_semaphore, #tpu.memory_space<semaphore_mem>>)
    %multiple_of3A_364 = arith.constant 16 : i32
    %multiple_of3A_365 = tpu.assume_multiple %multiple_of3A_364, 16 : i32
    %dma_start3A_366 = arith.constant 0 : i32
    %dma_start3A_367 = tpu.memref_slice %arg6[%dma_start3A_366, %multiple_of3A_365] : memref<16x64xi32, #tpu.memory_space<vmem>> -> memref<1x16xi32, #tpu.memory_space<vmem>>
    %dma_start3A_368 = tpu.memref_squeeze %dma_start3A_367 : memref<1x16xi32, #tpu.memory_space<vmem>> -> memref<16xi32, #tpu.memory_space<vmem>>
    %dma_start3A_369 = arith.constant 0 : i32
    %dma_start3A_370 = arith.constant 0 : i32
    %dma_start3A_371 = tpu.memref_slice %arg2[%dma_start3A_369, %dma_start3A_370] : memref<100000x1024xf32, #tpu.memory_space<hbm>> -> memref<100000x1024xf32, #tpu.memory_space<hbm>>
    tpu.enqueue_indirect_dma source(%dma_start3A_371 : memref<100000x1024xf32, #tpu.memory_space<hbm>>) target(%arg9 : memref<16x1024xf32, #tpu.memory_space<vmem>>) offsets(%dma_start3A_368 : memref<16xi32, #tpu.memory_space<vmem>>) semaphore(%arg12 : memref<!tpu.dma_semaphore, #tpu.memory_space<semaphore_mem>>)
    %dma_wait3A_372 = arith.constant 0 : i32
    %dma_wait3A_373 = tpu.memref_slice %arg4[%mul3A_2, %dma_wait3A_372] : memref<2048x1024xf32, #tpu.memory_space<hbm>> -> memref<64x1024xf32, #tpu.memory_space<hbm>>
    %dma_wait3A_374 = arith.constant 0 : i32
    %dma_wait3A_375 = tpu.memref_slice %arg4[%mul3A_2, %dma_wait3A_374] : memref<2048x1024xf32, #tpu.memory_space<hbm>> -> memref<64x1024xf32, #tpu.memory_space<hbm>>
    tpu.wait_dma2 semaphore(%arg17 : memref<!tpu.dma_semaphore, #tpu.memory_space<semaphore_mem>>) src(%dma_wait3A_375 : memref<64x1024xf32, #tpu.memory_space<hbm>>) dst(%arg7 : memref<64x1024xf32, #tpu.memory_space<vmem>>)
    %scan3A = arith.constant 0 : i32
    %scan3A_376 = arith.constant 21 : i32
    %scan3A_377 = arith.addi %scan3A, %scan3A_376 : i32
    %scan3A_378 = arith.constant 1 : i32
    scf.for %scan3A_443 = %scan3A to %scan3A_377 step %scan3A_378  : i32 {
      %mul3A_444 = arith.constant 1 : i32
      %mul3A_445 = arith.muli %scan3A_443, %mul3A_444 : i32
      %add3A_446 = arith.constant 0 : i32
      %add3A_447 = arith.addi %add3A_446, %mul3A_445 : i32
      %mul3A_448 = arith.constant 3 : i32
      %mul3A_449 = arith.muli %add3A_447, %mul3A_448 : i32
      %add3A_450 = arith.constant 0 : i32
      %add3A_451 = arith.addi %mul3A_449, %add3A_450 : i32
      %shift_right_logical3A_452 = arith.constant 2 : i32
      %shift_right_logical3A_453 = arith.shrui %add3A_451, %shift_right_logical3A_452 : i32
      %and3A_454 = arith.constant 3 : i32
      %and3A_455 = arith.andi %add3A_451, %and3A_454 : i32
      %mul3A_456 = arith.constant 2048 : i32
      %mul3A_457 = arith.muli %shift_right_logical3A_453, %mul3A_456 : i32
      %add3A_458 = arith.addi %mul3A_457, %mul3A_2 : i32
      %mul3A_459 = arith.constant 16 : i32
      %mul3A_460 = arith.muli %and3A_455, %mul3A_459 : i32
      %add3A_461 = arith.addi %add3A_458, %mul3A_460 : i32
      %mul3A_462 = arith.constant 16 : i32
      %mul3A_463 = arith.muli %and3A_455, %mul3A_462 : i32
      %dma_wait3A_464 = arith.constant 0 : i32
      %dma_wait3A_465 = arith.constant 0 : i32
      %dma_wait3A_466 = tpu.memref_slice %arg2[%dma_wait3A_464, %dma_wait3A_465] : memref<100000x1024xf32, #tpu.memory_space<hbm>> -> memref<16x1024xf32, #tpu.memory_space<hbm>>
      %dma_wait3A_467 = arith.constant 0 : i32
      %dma_wait3A_468 = arith.constant 0 : i32
      %dma_wait3A_469 = tpu.memref_slice %arg2[%dma_wait3A_467, %dma_wait3A_468] : memref<100000x1024xf32, #tpu.memory_space<hbm>> -> memref<16x1024xf32, #tpu.memory_space<hbm>>
      tpu.wait_dma2 semaphore(%arg11 : memref<!tpu.dma_semaphore, #tpu.memory_space<semaphore_mem>>) src(%dma_wait3A_469 : memref<16x1024xf32, #tpu.memory_space<hbm>>) dst(%arg8 : memref<16x1024xf32, #tpu.memory_space<vmem>>)
      %parallel_loop3A_470 = arith.constant 0 : i32
      %parallel_loop3A_471 = arith.constant 1024 : i32
      %parallel_loop3A_472 = arith.constant 1 : i32
      scf.for %parallel_loop3A_597 = %parallel_loop3A_470 to %parallel_loop3A_471 step %parallel_loop3A_472  : i32 {
        %parallel_loop3A_598 = arith.constant 6 : i32
        %parallel_loop3A_599 = arith.shrui %parallel_loop3A_597, %parallel_loop3A_598 : i32
        %parallel_loop3A_600 = arith.constant 63 : i32
        %parallel_loop3A_601 = arith.andi %parallel_loop3A_597, %parallel_loop3A_600 : i32
        %parallel_loop3A_602 = arith.constant 4 : i32
        %parallel_loop3A_603 = arith.shli %parallel_loop3A_601, %parallel_loop3A_602 : i32
        %parallel_loop3A_604 = tpu.assume_multiple %parallel_loop3A_603, 16 : i32
        %parallel_loop3A_605 = arith.addi %mul3A_463, %parallel_loop3A_599 : i32
        %parallel_loop3A_606 = arith.index_cast %parallel_loop3A_605 : i32 to index
        %parallel_loop3A_607 = arith.index_cast %parallel_loop3A_604 : i32 to index
        %parallel_loop3A_608 = tpu.vector_load %arg7[%parallel_loop3A_606, %parallel_loop3A_607] {strides = array<i32>} : memref<64x1024xf32, #tpu.memory_space<vmem>>, vector<1x16xf32>,
        %parallel_loop3A_609 = vector.shape_cast %parallel_loop3A_608 : vector<1x16xf32> to vector<16xf32>
        %parallel_loop3A_610 = arith.index_cast %parallel_loop3A_599 : i32 to index
        %parallel_loop3A_611 = arith.index_cast %parallel_loop3A_604 : i32 to index
        %parallel_loop3A_612 = tpu.vector_load %arg8[%parallel_loop3A_610, %parallel_loop3A_611] {strides = array<i32>} : memref<16x1024xf32, #tpu.memory_space<vmem>>, vector<1x16xf32>,
        %parallel_loop3A_613 = vector.shape_cast %parallel_loop3A_612 : vector<1x16xf32> to vector<16xf32>
        %parallel_loop3A_614 = vector.shape_cast %parallel_loop3A_609 : vector<16xf32> to vector<1x16xf32>
        tpu.vector_store %arg8[%parallel_loop3A_610, %parallel_loop3A_611], %parallel_loop3A_614 {add = true, strides = array<i32>} : memref<16x1024xf32, #tpu.memory_space<vmem>>, vector<1x16xf32>,
      } {sc.loop_unroll_factor = 8 : i64, sc.parallel_access}
      %dma_start3A_473 = arith.constant 0 : i32
      %dma_start3A_474 = tpu.memref_slice %arg5[%add3A_461, %dma_start3A_473] : memref<32768x1024xf32, #tpu.memory_space<hbm>> -> memref<16x1024xf32, #tpu.memory_space<hbm>>
      %dma_start3A_475 = arith.constant 0 : i32
      %dma_start3A_476 = tpu.memref_slice %arg5[%add3A_461, %dma_start3A_475] : memref<32768x1024xf32, #tpu.memory_space<hbm>> -> memref<16x1024xf32, #tpu.memory_space<hbm>>
      tpu.enqueue_dma source(%arg8 : memref<16x1024xf32, #tpu.memory_space<vmem>>) target(%dma_start3A_476 : memref<16x1024xf32, #tpu.memory_space<hbm>>) target_semaphore(%arg14 : memref<!tpu.dma_semaphore, #tpu.memory_space<semaphore_mem>>)
      %add3A_477 = arith.constant 2 : i32
      %add3A_478 = arith.addi %add3A_451, %add3A_477 : i32
      %shift_right_logical3A_479 = arith.constant 2 : i32
      %shift_right_logical3A_480 = arith.shrui %add3A_478, %shift_right_logical3A_479 : i32
      %and3A_481 = arith.constant 3 : i32
      %and3A_482 = arith.andi %add3A_478, %and3A_481 : i32
      %lt3A_483 = arith.constant 64 : i32
      %lt3A_484 = arith.cmpi slt, %add3A_478, %lt3A_483 : i32
      %ge3A_485 = arith.constant 1 : i32
      %ge3A_486 = arith.cmpi sge, %add3A_451, %ge3A_485 : i32
      %and3A_487 = arith.andi %lt3A_484, %ge3A_486 : i1
      %convert_element_type3A_488 = arith.extui %and3A_487 : i1 to i32
      %cond3A_489 = arith.constant 0 : i32
      %cond3A_490 = arith.cmpi ne, %convert_element_type3A_488, %cond3A_489 : i32
      scf.if %cond3A_490 {
        %dma_wait3A_597 = arith.constant 0 : i32
        %dma_wait3A_598 = arith.constant 0 : i32
        %dma_wait3A_599 = tpu.memref_slice %arg5[%dma_wait3A_597, %dma_wait3A_598] : memref<32768x1024xf32, #tpu.memory_space<hbm>> -> memref<16x1024xf32, #tpu.memory_space<hbm>>
        %dma_wait3A_600 = arith.constant 0 : i32
        %dma_wait3A_601 = arith.constant 0 : i32
        %dma_wait3A_602 = tpu.memref_slice %arg5[%dma_wait3A_600, %dma_wait3A_601] : memref<32768x1024xf32, #tpu.memory_space<hbm>> -> memref<16x1024xf32, #tpu.memory_space<hbm>>
        tpu.wait_dma2 semaphore(%arg16 : memref<!tpu.dma_semaphore, #tpu.memory_space<semaphore_mem>>) src(%arg10 : memref<16x1024xf32, #tpu.memory_space<vmem>>) dst(%dma_wait3A_602 : memref<16x1024xf32, #tpu.memory_space<hbm>>)
        %mul3A_603 = arith.constant 16 : i32
        %mul3A_604 = arith.muli %and3A_482, %mul3A_603 : i32
        %multiple_of3A_605 = tpu.assume_multiple %mul3A_604, 16 : i32
        %dma_start3A_606 = tpu.memref_slice %arg6[%shift_right_logical3A_480, %multiple_of3A_605] : memref<16x64xi32, #tpu.memory_space<vmem>> -> memref<1x16xi32, #tpu.memory_space<vmem>>
        %dma_start3A_607 = tpu.memref_squeeze %dma_start3A_606 : memref<1x16xi32, #tpu.memory_space<vmem>> -> memref<16xi32, #tpu.memory_space<vmem>>
        %dma_start3A_608 = arith.constant 0 : i32
        %dma_start3A_609 = arith.constant 0 : i32
        %dma_start3A_610 = tpu.memref_slice %arg2[%dma_start3A_608, %dma_start3A_609] : memref<100000x1024xf32, #tpu.memory_space<hbm>> -> memref<100000x1024xf32, #tpu.memory_space<hbm>>
        tpu.enqueue_indirect_dma source(%dma_start3A_610 : memref<100000x1024xf32, #tpu.memory_space<hbm>>) target(%arg10 : memref<16x1024xf32, #tpu.memory_space<vmem>>) offsets(%dma_start3A_607 : memref<16xi32, #tpu.memory_space<vmem>>) semaphore(%arg13 : memref<!tpu.dma_semaphore, #tpu.memory_space<semaphore_mem>>)
      } else {
      }
      %lt3A_491 = arith.constant 64 : i32
      %lt3A_492 = arith.cmpi slt, %add3A_478, %lt3A_491 : i32
      %lt3A_493 = arith.constant 1 : i32
      %lt3A_494 = arith.cmpi slt, %add3A_451, %lt3A_493 : i32
      %and3A_495 = arith.andi %lt3A_492, %lt3A_494 : i1
      %convert_element_type3A_496 = arith.extui %and3A_495 : i1 to i32
      %cond3A_497 = arith.constant 0 : i32
      %cond3A_498 = arith.cmpi ne, %convert_element_type3A_496, %cond3A_497 : i32
      scf.if %cond3A_498 {
        %mul3A_597 = arith.constant 16 : i32
        %mul3A_598 = arith.muli %and3A_482, %mul3A_597 : i32
        %multiple_of3A_599 = tpu.assume_multiple %mul3A_598, 16 : i32
        %dma_start3A_600 = tpu.memref_slice %arg6[%shift_right_logical3A_480, %multiple_of3A_599] : memref<16x64xi32, #tpu.memory_space<vmem>> -> memref<1x16xi32, #tpu.memory_space<vmem>>
        %dma_start3A_601 = tpu.memref_squeeze %dma_start3A_600 : memref<1x16xi32, #tpu.memory_space<vmem>> -> memref<16xi32, #tpu.memory_space<vmem>>
        %dma_start3A_602 = arith.constant 0 : i32
        %dma_start3A_603 = arith.constant 0 : i32
        %dma_start3A_604 = tpu.memref_slice %arg2[%dma_start3A_602, %dma_start3A_603] : memref<100000x1024xf32, #tpu.memory_space<hbm>> -> memref<100000x1024xf32, #tpu.memory_space<hbm>>
        tpu.enqueue_indirect_dma source(%dma_start3A_604 : memref<100000x1024xf32, #tpu.memory_space<hbm>>) target(%arg10 : memref<16x1024xf32, #tpu.memory_space<vmem>>) offsets(%dma_start3A_601 : memref<16xi32, #tpu.memory_space<vmem>>) semaphore(%arg13 : memref<!tpu.dma_semaphore, #tpu.memory_space<semaphore_mem>>)
      } else {
      }
      %add3A_499 = arith.constant 1 : i32
      %add3A_500 = arith.addi %mul3A_449, %add3A_499 : i32
      %shift_right_logical3A_501 = arith.constant 2 : i32
      %shift_right_logical3A_502 = arith.shrui %add3A_500, %shift_right_logical3A_501 : i32
      %and3A_503 = arith.constant 3 : i32
      %and3A_504 = arith.andi %add3A_500, %and3A_503 : i32
      %mul3A_505 = arith.constant 2048 : i32
      %mul3A_506 = arith.muli %shift_right_logical3A_502, %mul3A_505 : i32
      %add3A_507 = arith.addi %mul3A_506, %mul3A_2 : i32
      %mul3A_508 = arith.constant 16 : i32
      %mul3A_509 = arith.muli %and3A_504, %mul3A_508 : i32
      %add3A_510 = arith.addi %add3A_507, %mul3A_509 : i32
      %mul3A_511 = arith.constant 16 : i32
      %mul3A_512 = arith.muli %and3A_504, %mul3A_511 : i32
      %dma_wait3A_513 = arith.constant 0 : i32
      %dma_wait3A_514 = arith.constant 0 : i32
      %dma_wait3A_515 = tpu.memref_slice %arg2[%dma_wait3A_513, %dma_wait3A_514] : memref<100000x1024xf32, #tpu.memory_space<hbm>> -> memref<16x1024xf32, #tpu.memory_space<hbm>>
      %dma_wait3A_516 = arith.constant 0 : i32
      %dma_wait3A_517 = arith.constant 0 : i32
      %dma_wait3A_518 = tpu.memref_slice %arg2[%dma_wait3A_516, %dma_wait3A_517] : memref<100000x1024xf32, #tpu.memory_space<hbm>> -> memref<16x1024xf32, #tpu.memory_space<hbm>>
      tpu.wait_dma2 semaphore(%arg12 : memref<!tpu.dma_semaphore, #tpu.memory_space<semaphore_mem>>) src(%dma_wait3A_518 : memref<16x1024xf32, #tpu.memory_space<hbm>>) dst(%arg9 : memref<16x1024xf32, #tpu.memory_space<vmem>>)
      %parallel_loop3A_519 = arith.constant 0 : i32
      %parallel_loop3A_520 = arith.constant 1024 : i32
      %parallel_loop3A_521 = arith.constant 1 : i32
      scf.for %parallel_loop3A_597 = %parallel_loop3A_519 to %parallel_loop3A_520 step %parallel_loop3A_521  : i32 {
        %parallel_loop3A_598 = arith.constant 6 : i32
        %parallel_loop3A_599 = arith.shrui %parallel_loop3A_597, %parallel_loop3A_598 : i32
        %parallel_loop3A_600 = arith.constant 63 : i32
        %parallel_loop3A_601 = arith.andi %parallel_loop3A_597, %parallel_loop3A_600 : i32
        %parallel_loop3A_602 = arith.constant 4 : i32
        %parallel_loop3A_603 = arith.shli %parallel_loop3A_601, %parallel_loop3A_602 : i32
        %parallel_loop3A_604 = tpu.assume_multiple %parallel_loop3A_603, 16 : i32
        %parallel_loop3A_605 = arith.addi %mul3A_512, %parallel_loop3A_599 : i32
        %parallel_loop3A_606 = arith.index_cast %parallel_loop3A_605 : i32 to index
        %parallel_loop3A_607 = arith.index_cast %parallel_loop3A_604 : i32 to index
        %parallel_loop3A_608 = tpu.vector_load %arg7[%parallel_loop3A_606, %parallel_loop3A_607] {strides = array<i32>} : memref<64x1024xf32, #tpu.memory_space<vmem>>, vector<1x16xf32>,
        %parallel_loop3A_609 = vector.shape_cast %parallel_loop3A_608 : vector<1x16xf32> to vector<16xf32>
        %parallel_loop3A_610 = arith.index_cast %parallel_loop3A_599 : i32 to index
        %parallel_loop3A_611 = arith.index_cast %parallel_loop3A_604 : i32 to index
        %parallel_loop3A_612 = tpu.vector_load %arg9[%parallel_loop3A_610, %parallel_loop3A_611] {strides = array<i32>} : memref<16x1024xf32, #tpu.memory_space<vmem>>, vector<1x16xf32>,
        %parallel_loop3A_613 = vector.shape_cast %parallel_loop3A_612 : vector<1x16xf32> to vector<16xf32>
        %parallel_loop3A_614 = vector.shape_cast %parallel_loop3A_609 : vector<16xf32> to vector<1x16xf32>
        tpu.vector_store %arg9[%parallel_loop3A_610, %parallel_loop3A_611], %parallel_loop3A_614 {add = true, strides = array<i32>} : memref<16x1024xf32, #tpu.memory_space<vmem>>, vector<1x16xf32>,
      } {sc.loop_unroll_factor = 8 : i64, sc.parallel_access}
      %dma_start3A_522 = arith.constant 0 : i32
      %dma_start3A_523 = tpu.memref_slice %arg5[%add3A_510, %dma_start3A_522] : memref<32768x1024xf32, #tpu.memory_space<hbm>> -> memref<16x1024xf32, #tpu.memory_space<hbm>>
      %dma_start3A_524 = arith.constant 0 : i32
      %dma_start3A_525 = tpu.memref_slice %arg5[%add3A_510, %dma_start3A_524] : memref<32768x1024xf32, #tpu.memory_space<hbm>> -> memref<16x1024xf32, #tpu.memory_space<hbm>>
      tpu.enqueue_dma source(%arg9 : memref<16x1024xf32, #tpu.memory_space<vmem>>) target(%dma_start3A_525 : memref<16x1024xf32, #tpu.memory_space<hbm>>) target_semaphore(%arg15 : memref<!tpu.dma_semaphore, #tpu.memory_space<semaphore_mem>>)
      %add3A_526 = arith.constant 2 : i32
      %add3A_527 = arith.addi %add3A_500, %add3A_526 : i32
      %shift_right_logical3A_528 = arith.constant 2 : i32
      %shift_right_logical3A_529 = arith.shrui %add3A_527, %shift_right_logical3A_528 : i32
      %and3A_530 = arith.constant 3 : i32
      %and3A_531 = arith.andi %add3A_527, %and3A_530 : i32
      %lt3A_532 = arith.constant 64 : i32
      %lt3A_533 = arith.cmpi slt, %add3A_527, %lt3A_532 : i32
      %ge3A_534 = arith.constant 1 : i32
      %ge3A_535 = arith.cmpi sge, %add3A_500, %ge3A_534 : i32
      %and3A_536 = arith.andi %lt3A_533, %ge3A_535 : i1
      %convert_element_type3A_537 = arith.extui %and3A_536 : i1 to i32
      %cond3A_538 = arith.constant 0 : i32
      %cond3A_539 = arith.cmpi ne, %convert_element_type3A_537, %cond3A_538 : i32
      scf.if %cond3A_539 {
        %dma_wait3A_597 = arith.constant 0 : i32
        %dma_wait3A_598 = arith.constant 0 : i32
        %dma_wait3A_599 = tpu.memref_slice %arg5[%dma_wait3A_597, %dma_wait3A_598] : memref<32768x1024xf32, #tpu.memory_space<hbm>> -> memref<16x1024xf32, #tpu.memory_space<hbm>>
        %dma_wait3A_600 = arith.constant 0 : i32
        %dma_wait3A_601 = arith.constant 0 : i32
        %dma_wait3A_602 = tpu.memref_slice %arg5[%dma_wait3A_600, %dma_wait3A_601] : memref<32768x1024xf32, #tpu.memory_space<hbm>> -> memref<16x1024xf32, #tpu.memory_space<hbm>>
        tpu.wait_dma2 semaphore(%arg14 : memref<!tpu.dma_semaphore, #tpu.memory_space<semaphore_mem>>) src(%arg8 : memref<16x1024xf32, #tpu.memory_space<vmem>>) dst(%dma_wait3A_602 : memref<16x1024xf32, #tpu.memory_space<hbm>>)
        %mul3A_603 = arith.constant 16 : i32
        %mul3A_604 = arith.muli %and3A_531, %mul3A_603 : i32
        %multiple_of3A_605 = tpu.assume_multiple %mul3A_604, 16 : i32
        %dma_start3A_606 = tpu.memref_slice %arg6[%shift_right_logical3A_529, %multiple_of3A_605] : memref<16x64xi32, #tpu.memory_space<vmem>> -> memref<1x16xi32, #tpu.memory_space<vmem>>
        %dma_start3A_607 = tpu.memref_squeeze %dma_start3A_606 : memref<1x16xi32, #tpu.memory_space<vmem>> -> memref<16xi32, #tpu.memory_space<vmem>>
        %dma_start3A_608 = arith.constant 0 : i32
        %dma_start3A_609 = arith.constant 0 : i32
        %dma_start3A_610 = tpu.memref_slice %arg2[%dma_start3A_608, %dma_start3A_609] : memref<100000x1024xf32, #tpu.memory_space<hbm>> -> memref<100000x1024xf32, #tpu.memory_space<hbm>>
        tpu.enqueue_indirect_dma source(%dma_start3A_610 : memref<100000x1024xf32, #tpu.memory_space<hbm>>) target(%arg8 : memref<16x1024xf32, #tpu.memory_space<vmem>>) offsets(%dma_start3A_607 : memref<16xi32, #tpu.memory_space<vmem>>) semaphore(%arg11 : memref<!tpu.dma_semaphore, #tpu.memory_space<semaphore_mem>>)
      } else {
      }
      %lt3A_540 = arith.constant 64 : i32
      %lt3A_541 = arith.cmpi slt, %add3A_527, %lt3A_540 : i32
      %lt3A_542 = arith.constant 1 : i32
      %lt3A_543 = arith.cmpi slt, %add3A_500, %lt3A_542 : i32
      %and3A_544 = arith.andi %lt3A_541, %lt3A_543 : i1
      %convert_element_type3A_545 = arith.extui %and3A_544 : i1 to i32
      %cond3A_546 = arith.constant 0 : i32
      %cond3A_547 = arith.cmpi ne, %convert_element_type3A_545, %cond3A_546 : i32
      scf.if %cond3A_547 {
        %mul3A_597 = arith.constant 16 : i32
        %mul3A_598 = arith.muli %and3A_531, %mul3A_597 : i32
        %multiple_of3A_599 = tpu.assume_multiple %mul3A_598, 16 : i32
        %dma_start3A_600 = tpu.memref_slice %arg6[%shift_right_logical3A_529, %multiple_of3A_599] : memref<16x64xi32, #tpu.memory_space<vmem>> -> memref<1x16xi32, #tpu.memory_space<vmem>>
        %dma_start3A_601 = tpu.memref_squeeze %dma_start3A_600 : memref<1x16xi32, #tpu.memory_space<vmem>> -> memref<16xi32, #tpu.memory_space<vmem>>
        %dma_start3A_602 = arith.constant 0 : i32
        %dma_start3A_603 = arith.constant 0 : i32
        %dma_start3A_604 = tpu.memref_slice %arg2[%dma_start3A_602, %dma_start3A_603] : memref<100000x1024xf32, #tpu.memory_space<hbm>> -> memref<100000x1024xf32, #tpu.memory_space<hbm>>
        tpu.enqueue_indirect_dma source(%dma_start3A_604 : memref<100000x1024xf32, #tpu.memory_space<hbm>>) target(%arg8 : memref<16x1024xf32, #tpu.memory_space<vmem>>) offsets(%dma_start3A_601 : memref<16xi32, #tpu.memory_space<vmem>>) semaphore(%arg11 : memref<!tpu.dma_semaphore, #tpu.memory_space<semaphore_mem>>)
      } else {
      }
      %add3A_548 = arith.constant 2 : i32
      %add3A_549 = arith.addi %mul3A_449, %add3A_548 : i32
      %shift_right_logical3A_550 = arith.constant 2 : i32
      %shift_right_logical3A_551 = arith.shrui %add3A_549, %shift_right_logical3A_550 : i32
      %and3A_552 = arith.constant 3 : i32
      %and3A_553 = arith.andi %add3A_549, %and3A_552 : i32
      %mul3A_554 = arith.constant 2048 : i32
      %mul3A_555 = arith.muli %shift_right_logical3A_551, %mul3A_554 : i32
      %add3A_556 = arith.addi %mul3A_555, %mul3A_2 : i32
      %mul3A_557 = arith.constant 16 : i32
      %mul3A_558 = arith.muli %and3A_553, %mul3A_557 : i32
      %add3A_559 = arith.addi %add3A_556, %mul3A_558 : i32
      %mul3A_560 = arith.constant 16 : i32
      %mul3A_561 = arith.muli %and3A_553, %mul3A_560 : i32
      %dma_wait3A_562 = arith.constant 0 : i32
      %dma_wait3A_563 = arith.constant 0 : i32
      %dma_wait3A_564 = tpu.memref_slice %arg2[%dma_wait3A_562, %dma_wait3A_563] : memref<100000x1024xf32, #tpu.memory_space<hbm>> -> memref<16x1024xf32, #tpu.memory_space<hbm>>
      %dma_wait3A_565 = arith.constant 0 : i32
      %dma_wait3A_566 = arith.constant 0 : i32
      %dma_wait3A_567 = tpu.memref_slice %arg2[%dma_wait3A_565, %dma_wait3A_566] : memref<100000x1024xf32, #tpu.memory_space<hbm>> -> memref<16x1024xf32, #tpu.memory_space<hbm>>
      tpu.wait_dma2 semaphore(%arg13 : memref<!tpu.dma_semaphore, #tpu.memory_space<semaphore_mem>>) src(%dma_wait3A_567 : memref<16x1024xf32, #tpu.memory_space<hbm>>) dst(%arg10 : memref<16x1024xf32, #tpu.memory_space<vmem>>)
      %parallel_loop3A_568 = arith.constant 0 : i32
      %parallel_loop3A_569 = arith.constant 1024 : i32
      %parallel_loop3A_570 = arith.constant 1 : i32
      scf.for %parallel_loop3A_597 = %parallel_loop3A_568 to %parallel_loop3A_569 step %parallel_loop3A_570  : i32 {
        %parallel_loop3A_598 = arith.constant 6 : i32
        %parallel_loop3A_599 = arith.shrui %parallel_loop3A_597, %parallel_loop3A_598 : i32
        %parallel_loop3A_600 = arith.constant 63 : i32
        %parallel_loop3A_601 = arith.andi %parallel_loop3A_597, %parallel_loop3A_600 : i32
        %parallel_loop3A_602 = arith.constant 4 : i32
        %parallel_loop3A_603 = arith.shli %parallel_loop3A_601, %parallel_loop3A_602 : i32
        %parallel_loop3A_604 = tpu.assume_multiple %parallel_loop3A_603, 16 : i32
        %parallel_loop3A_605 = arith.addi %mul3A_561, %parallel_loop3A_599 : i32
        %parallel_loop3A_606 = arith.index_cast %parallel_loop3A_605 : i32 to index
        %parallel_loop3A_607 = arith.index_cast %parallel_loop3A_604 : i32 to index
        %parallel_loop3A_608 = tpu.vector_load %arg7[%parallel_loop3A_606, %parallel_loop3A_607] {strides = array<i32>} : memref<64x1024xf32, #tpu.memory_space<vmem>>, vector<1x16xf32>,
        %parallel_loop3A_609 = vector.shape_cast %parallel_loop3A_608 : vector<1x16xf32> to vector<16xf32>
        %parallel_loop3A_610 = arith.index_cast %parallel_loop3A_599 : i32 to index
        %parallel_loop3A_611 = arith.index_cast %parallel_loop3A_604 : i32 to index
        %parallel_loop3A_612 = tpu.vector_load %arg10[%parallel_loop3A_610, %parallel_loop3A_611] {strides = array<i32>} : memref<16x1024xf32, #tpu.memory_space<vmem>>, vector<1x16xf32>,
        %parallel_loop3A_613 = vector.shape_cast %parallel_loop3A_612 : vector<1x16xf32> to vector<16xf32>
        %parallel_loop3A_614 = vector.shape_cast %parallel_loop3A_609 : vector<16xf32> to vector<1x16xf32>
        tpu.vector_store %arg10[%parallel_loop3A_610, %parallel_loop3A_611], %parallel_loop3A_614 {add = true, strides = array<i32>} : memref<16x1024xf32, #tpu.memory_space<vmem>>, vector<1x16xf32>,
      } {sc.loop_unroll_factor = 8 : i64, sc.parallel_access}
      %dma_start3A_571 = arith.constant 0 : i32
      %dma_start3A_572 = tpu.memref_slice %arg5[%add3A_559, %dma_start3A_571] : memref<32768x1024xf32, #tpu.memory_space<hbm>> -> memref<16x1024xf32, #tpu.memory_space<hbm>>
      %dma_start3A_573 = arith.constant 0 : i32
      %dma_start3A_574 = tpu.memref_slice %arg5[%add3A_559, %dma_start3A_573] : memref<32768x1024xf32, #tpu.memory_space<hbm>> -> memref<16x1024xf32, #tpu.memory_space<hbm>>
      tpu.enqueue_dma source(%arg10 : memref<16x1024xf32, #tpu.memory_space<vmem>>) target(%dma_start3A_574 : memref<16x1024xf32, #tpu.memory_space<hbm>>) target_semaphore(%arg16 : memref<!tpu.dma_semaphore, #tpu.memory_space<semaphore_mem>>)
      %add3A_575 = arith.constant 2 : i32
      %add3A_576 = arith.addi %add3A_549, %add3A_575 : i32
      %shift_right_logical3A_577 = arith.constant 2 : i32
      %shift_right_logical3A_578 = arith.shrui %add3A_576, %shift_right_logical3A_577 : i32
      %and3A_579 = arith.constant 3 : i32
      %and3A_580 = arith.andi %add3A_576, %and3A_579 : i32
      %lt3A_581 = arith.constant 64 : i32
      %lt3A_582 = arith.cmpi slt, %add3A_576, %lt3A_581 : i32
      %ge3A_583 = arith.constant 1 : i32
      %ge3A_584 = arith.cmpi sge, %add3A_549, %ge3A_583 : i32
      %and3A_585 = arith.andi %lt3A_582, %ge3A_584 : i1
      %convert_element_type3A_586 = arith.extui %and3A_585 : i1 to i32
      %cond3A_587 = arith.constant 0 : i32
      %cond3A_588 = arith.cmpi ne, %convert_element_type3A_586, %cond3A_587 : i32
      scf.if %cond3A_588 {
        %dma_wait3A_597 = arith.constant 0 : i32
        %dma_wait3A_598 = arith.constant 0 : i32
        %dma_wait3A_599 = tpu.memref_slice %arg5[%dma_wait3A_597, %dma_wait3A_598] : memref<32768x1024xf32, #tpu.memory_space<hbm>> -> memref<16x1024xf32, #tpu.memory_space<hbm>>
        %dma_wait3A_600 = arith.constant 0 : i32
        %dma_wait3A_601 = arith.constant 0 : i32
        %dma_wait3A_602 = tpu.memref_slice %arg5[%dma_wait3A_600, %dma_wait3A_601] : memref<32768x1024xf32, #tpu.memory_space<hbm>> -> memref<16x1024xf32, #tpu.memory_space<hbm>>
        tpu.wait_dma2 semaphore(%arg15 : memref<!tpu.dma_semaphore, #tpu.memory_space<semaphore_mem>>) src(%arg9 : memref<16x1024xf32, #tpu.memory_space<vmem>>) dst(%dma_wait3A_602 : memref<16x1024xf32, #tpu.memory_space<hbm>>)
        %mul3A_603 = arith.constant 16 : i32
        %mul3A_604 = arith.muli %and3A_580, %mul3A_603 : i32
        %multiple_of3A_605 = tpu.assume_multiple %mul3A_604, 16 : i32
        %dma_start3A_606 = tpu.memref_slice %arg6[%shift_right_logical3A_578, %multiple_of3A_605] : memref<16x64xi32, #tpu.memory_space<vmem>> -> memref<1x16xi32, #tpu.memory_space<vmem>>
        %dma_start3A_607 = tpu.memref_squeeze %dma_start3A_606 : memref<1x16xi32, #tpu.memory_space<vmem>> -> memref<16xi32, #tpu.memory_space<vmem>>
        %dma_start3A_608 = arith.constant 0 : i32
        %dma_start3A_609 = arith.constant 0 : i32
        %dma_start3A_610 = tpu.memref_slice %arg2[%dma_start3A_608, %dma_start3A_609] : memref<100000x1024xf32, #tpu.memory_space<hbm>> -> memref<100000x1024xf32, #tpu.memory_space<hbm>>
        tpu.enqueue_indirect_dma source(%dma_start3A_610 : memref<100000x1024xf32, #tpu.memory_space<hbm>>) target(%arg9 : memref<16x1024xf32, #tpu.memory_space<vmem>>) offsets(%dma_start3A_607 : memref<16xi32, #tpu.memory_space<vmem>>) semaphore(%arg12 : memref<!tpu.dma_semaphore, #tpu.memory_space<semaphore_mem>>)
      } else {
      }
      %lt3A_589 = arith.constant 64 : i32
      %lt3A_590 = arith.cmpi slt, %add3A_576, %lt3A_589 : i32
      %lt3A_591 = arith.constant 1 : i32
      %lt3A_592 = arith.cmpi slt, %add3A_549, %lt3A_591 : i32
      %and3A_593 = arith.andi %lt3A_590, %lt3A_592 : i1
      %convert_element_type3A_594 = arith.extui %and3A_593 : i1 to i32
      %cond3A_595 = arith.constant 0 : i32
      %cond3A_596 = arith.cmpi ne, %convert_element_type3A_594, %cond3A_595 : i32
      scf.if %cond3A_596 {
        %mul3A_597 = arith.constant 16 : i32
        %mul3A_598 = arith.muli %and3A_580, %mul3A_597 : i32
        %multiple_of3A_599 = tpu.assume_multiple %mul3A_598, 16 : i32
        %dma_start3A_600 = tpu.memref_slice %arg6[%shift_right_logical3A_578, %multiple_of3A_599] : memref<16x64xi32, #tpu.memory_space<vmem>> -> memref<1x16xi32, #tpu.memory_space<vmem>>
        %dma_start3A_601 = tpu.memref_squeeze %dma_start3A_600 : memref<1x16xi32, #tpu.memory_space<vmem>> -> memref<16xi32, #tpu.memory_space<vmem>>
        %dma_start3A_602 = arith.constant 0 : i32
        %dma_start3A_603 = arith.constant 0 : i32
        %dma_start3A_604 = tpu.memref_slice %arg2[%dma_start3A_602, %dma_start3A_603] : memref<100000x1024xf32, #tpu.memory_space<hbm>> -> memref<100000x1024xf32, #tpu.memory_space<hbm>>
        tpu.enqueue_indirect_dma source(%dma_start3A_604 : memref<100000x1024xf32, #tpu.memory_space<hbm>>) target(%arg9 : memref<16x1024xf32, #tpu.memory_space<vmem>>) offsets(%dma_start3A_601 : memref<16xi32, #tpu.memory_space<vmem>>) semaphore(%arg12 : memref<!tpu.dma_semaphore, #tpu.memory_space<semaphore_mem>>)
      } else {
      }
    }
    %scan3A_379 = arith.constant 21 : i32
    %shift_right_logical3A = arith.constant 63 : i32
    %shift_right_logical3A_380 = arith.constant 2 : i32
    %shift_right_logical3A_381 = arith.shrui %shift_right_logical3A, %shift_right_logical3A_380 : i32
    %and3A = arith.constant 63 : i32
    %and3A_382 = arith.constant 3 : i32
    %and3A_383 = arith.andi %and3A, %and3A_382 : i32
    %mul3A_384 = arith.constant 2048 : i32
    %mul3A_385 = arith.muli %shift_right_logical3A_381, %mul3A_384 : i32
    %add3A_386 = arith.addi %mul3A_385, %mul3A_2 : i32
    %mul3A_387 = arith.constant 16 : i32
    %mul3A_388 = arith.muli %and3A_383, %mul3A_387 : i32
    %add3A_389 = arith.addi %add3A_386, %mul3A_388 : i32
    %mul3A_390 = arith.constant 16 : i32
    %mul3A_391 = arith.muli %and3A_383, %mul3A_390 : i32
    %dma_wait3A_392 = arith.constant 0 : i32
    %dma_wait3A_393 = arith.constant 0 : i32
    %dma_wait3A_394 = tpu.memref_slice %arg2[%dma_wait3A_392, %dma_wait3A_393] : memref<100000x1024xf32, #tpu.memory_space<hbm>> -> memref<16x1024xf32, #tpu.memory_space<hbm>>
    %dma_wait3A_395 = arith.constant 0 : i32
    %dma_wait3A_396 = arith.constant 0 : i32
    %dma_wait3A_397 = tpu.memref_slice %arg2[%dma_wait3A_395, %dma_wait3A_396] : memref<100000x1024xf32, #tpu.memory_space<hbm>> -> memref<16x1024xf32, #tpu.memory_space<hbm>>
    tpu.wait_dma2 semaphore(%arg11 : memref<!tpu.dma_semaphore, #tpu.memory_space<semaphore_mem>>) src(%dma_wait3A_397 : memref<16x1024xf32, #tpu.memory_space<hbm>>) dst(%arg8 : memref<16x1024xf32, #tpu.memory_space<vmem>>)
    %parallel_loop3A = arith.constant 0 : i32
    %parallel_loop3A_398 = arith.constant 1024 : i32
    %parallel_loop3A_399 = arith.constant 1 : i32
    scf.for %parallel_loop3A_443 = %parallel_loop3A to %parallel_loop3A_398 step %parallel_loop3A_399  : i32 {
      %parallel_loop3A_444 = arith.constant 6 : i32
      %parallel_loop3A_445 = arith.shrui %parallel_loop3A_443, %parallel_loop3A_444 : i32
      %parallel_loop3A_446 = arith.constant 63 : i32
      %parallel_loop3A_447 = arith.andi %parallel_loop3A_443, %parallel_loop3A_446 : i32
      %parallel_loop3A_448 = arith.constant 4 : i32
      %parallel_loop3A_449 = arith.shli %parallel_loop3A_447, %parallel_loop3A_448 : i32
      %parallel_loop3A_450 = tpu.assume_multiple %parallel_loop3A_449, 16 : i32
      %parallel_loop3A_451 = arith.addi %mul3A_391, %parallel_loop3A_445 : i32
      %parallel_loop3A_452 = arith.index_cast %parallel_loop3A_451 : i32 to index
      %parallel_loop3A_453 = arith.index_cast %parallel_loop3A_450 : i32 to index
      %parallel_loop3A_454 = tpu.vector_load %arg7[%parallel_loop3A_452, %parallel_loop3A_453] {strides = array<i32>} : memref<64x1024xf32, #tpu.memory_space<vmem>>, vector<1x16xf32>,
      %parallel_loop3A_455 = vector.shape_cast %parallel_loop3A_454 : vector<1x16xf32> to vector<16xf32>
      %parallel_loop3A_456 = arith.index_cast %parallel_loop3A_445 : i32 to index
      %parallel_loop3A_457 = arith.index_cast %parallel_loop3A_450 : i32 to index
      %parallel_loop3A_458 = tpu.vector_load %arg8[%parallel_loop3A_456, %parallel_loop3A_457] {strides = array<i32>} : memref<16x1024xf32, #tpu.memory_space<vmem>>, vector<1x16xf32>,
      %parallel_loop3A_459 = vector.shape_cast %parallel_loop3A_458 : vector<1x16xf32> to vector<16xf32>
      %parallel_loop3A_460 = vector.shape_cast %parallel_loop3A_455 : vector<16xf32> to vector<1x16xf32>
      tpu.vector_store %arg8[%parallel_loop3A_456, %parallel_loop3A_457], %parallel_loop3A_460 {add = true, strides = array<i32>} : memref<16x1024xf32, #tpu.memory_space<vmem>>, vector<1x16xf32>,
    } {sc.loop_unroll_factor = 8 : i64, sc.parallel_access}
    %dma_start3A_400 = arith.constant 0 : i32
    %dma_start3A_401 = tpu.memref_slice %arg5[%add3A_389, %dma_start3A_400] : memref<32768x1024xf32, #tpu.memory_space<hbm>> -> memref<16x1024xf32, #tpu.memory_space<hbm>>
    %dma_start3A_402 = arith.constant 0 : i32
    %dma_start3A_403 = tpu.memref_slice %arg5[%add3A_389, %dma_start3A_402] : memref<32768x1024xf32, #tpu.memory_space<hbm>> -> memref<16x1024xf32, #tpu.memory_space<hbm>>
    tpu.enqueue_dma source(%arg8 : memref<16x1024xf32, #tpu.memory_space<vmem>>) target(%dma_start3A_403 : memref<16x1024xf32, #tpu.memory_space<hbm>>) target_semaphore(%arg14 : memref<!tpu.dma_semaphore, #tpu.memory_space<semaphore_mem>>)
    %add3A_404 = arith.constant 63 : i32
    %add3A_405 = arith.constant 2 : i32
    %add3A_406 = arith.addi %add3A_404, %add3A_405 : i32
    %shift_right_logical3A_407 = arith.constant 2 : i32
    %shift_right_logical3A_408 = arith.shrui %add3A_406, %shift_right_logical3A_407 : i32
    %and3A_409 = arith.constant 3 : i32
    %and3A_410 = arith.andi %add3A_406, %and3A_409 : i32
    %lt3A = arith.constant 64 : i32
    %lt3A_411 = arith.cmpi slt, %add3A_406, %lt3A : i32
    %ge3A = arith.constant 63 : i32
    %ge3A_412 = arith.constant 1 : i32
    %ge3A_413 = arith.cmpi sge, %ge3A, %ge3A_412 : i32
    %and3A_414 = arith.andi %lt3A_411, %ge3A_413 : i1
    %convert_element_type3A = arith.extui %and3A_414 : i1 to i32
    %cond3A = arith.constant 0 : i32
    %cond3A_415 = arith.cmpi ne, %convert_element_type3A, %cond3A : i32
    scf.if %cond3A_415 {
      %dma_wait3A_443 = arith.constant 0 : i32
      %dma_wait3A_444 = arith.constant 0 : i32
      %dma_wait3A_445 = tpu.memref_slice %arg5[%dma_wait3A_443, %dma_wait3A_444] : memref<32768x1024xf32, #tpu.memory_space<hbm>> -> memref<16x1024xf32, #tpu.memory_space<hbm>>
      %dma_wait3A_446 = arith.constant 0 : i32
      %dma_wait3A_447 = arith.constant 0 : i32
      %dma_wait3A_448 = tpu.memref_slice %arg5[%dma_wait3A_446, %dma_wait3A_447] : memref<32768x1024xf32, #tpu.memory_space<hbm>> -> memref<16x1024xf32, #tpu.memory_space<hbm>>
      tpu.wait_dma2 semaphore(%arg16 : memref<!tpu.dma_semaphore, #tpu.memory_space<semaphore_mem>>) src(%arg10 : memref<16x1024xf32, #tpu.memory_space<vmem>>) dst(%dma_wait3A_448 : memref<16x1024xf32, #tpu.memory_space<hbm>>)
      %mul3A_449 = arith.constant 16 : i32
      %mul3A_450 = arith.muli %and3A_410, %mul3A_449 : i32
      %multiple_of3A_451 = tpu.assume_multiple %mul3A_450, 16 : i32
      %dma_start3A_452 = tpu.memref_slice %arg6[%shift_right_logical3A_408, %multiple_of3A_451] : memref<16x64xi32, #tpu.memory_space<vmem>> -> memref<1x16xi32, #tpu.memory_space<vmem>>
      %dma_start3A_453 = tpu.memref_squeeze %dma_start3A_452 : memref<1x16xi32, #tpu.memory_space<vmem>> -> memref<16xi32, #tpu.memory_space<vmem>>
      %dma_start3A_454 = arith.constant 0 : i32
      %dma_start3A_455 = arith.constant 0 : i32
      %dma_start3A_456 = tpu.memref_slice %arg2[%dma_start3A_454, %dma_start3A_455] : memref<100000x1024xf32, #tpu.memory_space<hbm>> -> memref<100000x1024xf32, #tpu.memory_space<hbm>>
      tpu.enqueue_indirect_dma source(%dma_start3A_456 : memref<100000x1024xf32, #tpu.memory_space<hbm>>) target(%arg10 : memref<16x1024xf32, #tpu.memory_space<vmem>>) offsets(%dma_start3A_453 : memref<16xi32, #tpu.memory_space<vmem>>) semaphore(%arg13 : memref<!tpu.dma_semaphore, #tpu.memory_space<semaphore_mem>>)
    } else {
    }
    %lt3A_416 = arith.constant 64 : i32
    %lt3A_417 = arith.cmpi slt, %add3A_406, %lt3A_416 : i32
    %lt3A_418 = arith.constant 63 : i32
    %lt3A_419 = arith.constant 1 : i32
    %lt3A_420 = arith.cmpi slt, %lt3A_418, %lt3A_419 : i32
    %and3A_421 = arith.andi %lt3A_417, %lt3A_420 : i1
    %convert_element_type3A_422 = arith.extui %and3A_421 : i1 to i32
    %cond3A_423 = arith.constant 0 : i32
    %cond3A_424 = arith.cmpi ne, %convert_element_type3A_422, %cond3A_423 : i32
    scf.if %cond3A_424 {
      %mul3A_443 = arith.constant 16 : i32
      %mul3A_444 = arith.muli %and3A_410, %mul3A_443 : i32
      %multiple_of3A_445 = tpu.assume_multiple %mul3A_444, 16 : i32
      %dma_start3A_446 = tpu.memref_slice %arg6[%shift_right_logical3A_408, %multiple_of3A_445] : memref<16x64xi32, #tpu.memory_space<vmem>> -> memref<1x16xi32, #tpu.memory_space<vmem>>
      %dma_start3A_447 = tpu.memref_squeeze %dma_start3A_446 : memref<1x16xi32, #tpu.memory_space<vmem>> -> memref<16xi32, #tpu.memory_space<vmem>>
      %dma_start3A_448 = arith.constant 0 : i32
      %dma_start3A_449 = arith.constant 0 : i32
      %dma_start3A_450 = tpu.memref_slice %arg2[%dma_start3A_448, %dma_start3A_449] : memref<100000x1024xf32, #tpu.memory_space<hbm>> -> memref<100000x1024xf32, #tpu.memory_space<hbm>>
      tpu.enqueue_indirect_dma source(%dma_start3A_450 : memref<100000x1024xf32, #tpu.memory_space<hbm>>) target(%arg10 : memref<16x1024xf32, #tpu.memory_space<vmem>>) offsets(%dma_start3A_447 : memref<16xi32, #tpu.memory_space<vmem>>) semaphore(%arg13 : memref<!tpu.dma_semaphore, #tpu.memory_space<semaphore_mem>>)
    } else {
    }
    %dma_wait3A_425 = arith.constant 0 : i32
    %dma_wait3A_426 = arith.constant 0 : i32
    %dma_wait3A_427 = tpu.memref_slice %arg5[%dma_wait3A_425, %dma_wait3A_426] : memref<32768x1024xf32, #tpu.memory_space<hbm>> -> memref<16x1024xf32, #tpu.memory_space<hbm>>
    %dma_wait3A_428 = arith.constant 0 : i32
    %dma_wait3A_429 = arith.constant 0 : i32
    %dma_wait3A_430 = tpu.memref_slice %arg5[%dma_wait3A_428, %dma_wait3A_429] : memref<32768x1024xf32, #tpu.memory_space<hbm>> -> memref<16x1024xf32, #tpu.memory_space<hbm>>
    tpu.wait_dma2 semaphore(%arg14 : memref<!tpu.dma_semaphore, #tpu.memory_space<semaphore_mem>>) src(%arg8 : memref<16x1024xf32, #tpu.memory_space<vmem>>) dst(%dma_wait3A_430 : memref<16x1024xf32, #tpu.memory_space<hbm>>)
    %dma_wait3A_431 = arith.constant 0 : i32
    %dma_wait3A_432 = arith.constant 0 : i32
    %dma_wait3A_433 = tpu.memref_slice %arg5[%dma_wait3A_431, %dma_wait3A_432] : memref<32768x1024xf32, #tpu.memory_space<hbm>> -> memref<16x1024xf32, #tpu.memory_space<hbm>>
    %dma_wait3A_434 = arith.constant 0 : i32
    %dma_wait3A_435 = arith.constant 0 : i32
    %dma_wait3A_436 = tpu.memref_slice %arg5[%dma_wait3A_434, %dma_wait3A_435] : memref<32768x1024xf32, #tpu.memory_space<hbm>> -> memref<16x1024xf32, #tpu.memory_space<hbm>>
    tpu.wait_dma2 semaphore(%arg15 : memref<!tpu.dma_semaphore, #tpu.memory_space<semaphore_mem>>) src(%arg9 : memref<16x1024xf32, #tpu.memory_space<vmem>>) dst(%dma_wait3A_436 : memref<16x1024xf32, #tpu.memory_space<hbm>>)
    %dma_wait3A_437 = arith.constant 0 : i32
    %dma_wait3A_438 = arith.constant 0 : i32
    %dma_wait3A_439 = tpu.memref_slice %arg5[%dma_wait3A_437, %dma_wait3A_438] : memref<32768x1024xf32, #tpu.memory_space<hbm>> -> memref<16x1024xf32, #tpu.memory_space<hbm>>
    %dma_wait3A_440 = arith.constant 0 : i32
    %dma_wait3A_441 = arith.constant 0 : i32
    %dma_wait3A_442 = tpu.memref_slice %arg5[%dma_wait3A_440, %dma_wait3A_441] : memref<32768x1024xf32, #tpu.memory_space<hbm>> -> memref<16x1024xf32, #tpu.memory_space<hbm>>
    tpu.wait_dma2 semaphore(%arg16 : memref<!tpu.dma_semaphore, #tpu.memory_space<semaphore_mem>>) src(%arg10 : memref<16x1024xf32, #tpu.memory_space<vmem>>) dst(%dma_wait3A_442 : memref<16x1024xf32, #tpu.memory_space<hbm>>)
    return
  }
}

</mosaic_0001>

<sc_bundles>
// kernel: _emb_call.3.cloned.1.call-start
scs
__scs_entry_jumppad:
0x0: {  	(pc) =	sbr.rel $0x88, $3  }
0x1: {  	(tag) =	ssettag $0x0;
	lr =	simm.s32 $0x1  }
0x2: {  	[smem:$0x3F9E] =	sst lr;
	_ =	strace $0xD0000000  }
0x3: {  	_ = 	snop  }
0x4: {  	_ = 	snop  }
0x5: {  	_ = 	snop  }
0x6: {  	_ = 	snop  }
0x7: {  	_ = 	snop  }
__scs_overlays_trampoline_lowered:
0x8: {  	[smem:$0x3FAD] =	sst s0  }
0x9: {  	[smem:$0x3FAE] =	sst s1  }
0xa: {  	[smem:$0x3FAF] =	sst s2  }
0xb: {  	[smem:$0x3FB0] =	sst s3  }
0xc: {  	[smem:$0x3FB1] =	sst s4  }
0xd: {  	[smem:$0x3FB2] =	sst s5  }
0xe: {  	[smem:$0x3FB3] =	sst s6  }
0xf: {  	[smem:$0x3FB4] =	sst s7  }
0x10: {  	[smem:$0x3FB5] =	sst s8  }
0x11: {  	[smem:$0x3FB6] =	sst s9;
	s0 =	simm.s32 @!p0 $0x0  }
0x12: {  	s1 =	sld [smem:$0x3F9C];
	s0 =	simm.s32 @p0 $0x1  }
0x13: {  	[smem:$0x3FB7] =	sst s0;
	s0 =	simm.s32 @!p1 $0x0  }
0x14: {  	s2 =	sld [smem:$0x3F9B];
	s0 =	simm.s32 @p1 $0x1  }
0x15: {  	[smem:$0x3FB8] =	sst s0;
	s0 =	simm.s32 @!p2 $0x0  }
0x16: {  	s3 =	sld [smem:$0x3FDB];
	s0 =	simm.s32 @p2 $0x1  }
0x17: {  	s4 =	simm.s32 $0x1BF5;
	[smem:$0x3FBA] =	sst s0  }
0x18: {  	s0 =	sld [smem:$0x3F9D];
	_ =	swait.ge [sflag:s4], $0x0  }
0x19: {  	s7 =	sld [smem:$0x3F9E]  }
0x1a: {  	s8 =	sadd.s32 $0xFFFFE003, lr  }
0x1b: {  	s9 =	sadd.s32 $0xFFFFFEF7, lr;
	s5 =	simm.s32 $0xFFFFFFFF;
	p2 =	slt.u32 s8, $0xFFFFF086  }
0x1c: {  	p1 =	slt.u32 s9, $0xF7A;
	s5 =	simm.s32 @!p2 $0x0  }
0x1d: {  	s5 =	simm.s32 @p1 $0x1;
	p0 =	seq.s32 s7, s2  }
0x1e: {  	s7 =	smul.u32 @!p0 $0xF7A, s2;
	p2 =	seq.s32 @!p0 s5, $0x0  }
0x1f: {  	s9 =	smul.u32 $0xF7A, s1;
	s8 =	simm.s32 @!p0 $0x1BF5;
	p2 =	por !p2, p0  }
0x20: {  	[sflag:s8] =	ssyncset.s32 @!p0 $0xFFFFF086;
	s6 =	sadd.s32 @!p0 s3, s7;
	s7 =	simm.s32 @!p0 $0x108  }
0x21: {  	s3 =	sadd.s32 s3, s9;
	s6 =	sadd.s32 @!p0 $0x88, s6;
	s7 =	simm.s32 @p2 $0x1082  }
0x22: {  	[simem:s7], [sflag:s8] =	dma.local @!p0 [hbm:s6], $0xF7A  }
0x23: {  	s9 =	sor.u32 $0xD0000000, s2;
	s6 =	simm.s32 $0x108;
	_ =	swait.ge @!p0 [sflag:s8], $0x0  }
0x24: {  	s3 =	sadd.s32 $0x88, s3;
	s6 =	simm.s32 @!p1 $0x1082;
	[sflag:s4] =	ssyncset.s32 $0xFFFFF086  }
0x25: {  	[simem:s6], [sflag:s4] =	dma.local [hbm:s3], $0xF7A  }
0x26: {  	[smem:$0x3F9E] =	sst s1;
	(tag) =	ssettag s2;
	_ =	strace s9  }
0x27: {  	s1 =	sld [smem:$0x3FAE]  }
0x28: {  	s2 =	sld [smem:$0x3FAF]  }
0x29: {  	s4 =	sld [smem:$0x3FB1]  }
0x2a: {  	p0 =	seq.s32 s5, $0x0;
	s5 =	sld [smem:$0x3FB2]  }
0x2b: {  	s6 =	sld [smem:$0x3FB3]  }
0x2c: {  	s7 =	sld [smem:$0x3FB4]  }
0x2d: {  	s3 =	simm.s32 $0x108;
	s8 =	sld [smem:$0x3FB5]  }
0x2e: {  	s3 =	simm.s32 @!p0 $0x1082;
	s9 =	sld [smem:$0x3FB6]  }
0x2f: {  	lr =	sadd.s32 s0, s3;
	s0 =	sld [smem:$0x3FAD]  }
0x30: {  	s3 =	sld [smem:$0x3FB0]  }
0x31: {  	[smem:$0x3FB9] =	sst s10  }
0x32: {  	s10 =	sld [smem:$0x3FB7];
	_ =	sdelay $0x3  }
0x33: {  	p0 =	seq.s32 s10, $0x1;
	s10 =	sld [smem:$0x3FB9];
	_ =	sdelay $0x3  }
0x34: {  	[smem:$0x3FB9] =	sst s10  }
0x35: {  	s10 =	sld [smem:$0x3FB8];
	_ =	sdelay $0x3  }
0x36: {  	p1 =	seq.s32 s10, $0x1;
	s10 =	sld [smem:$0x3FB9];
	_ =	sdelay $0x3  }
0x37: {  	[smem:$0x3FB9] =	sst s10  }
0x38: {  	s10 =	sld [smem:$0x3FBA]  }
0x39: {  	_ = 	snop;
	(pc) =	sbr.ind lr, $3  }
0x3a: {  	_ = 	snop  }
0x3b: {  	_ = 	snop  }
0x3c: {  	p2 =	seq.s32 s10, $0x1;
	s10 =	sld [smem:$0x3FB9]  }
0x3d: {  	_ =	shalt  }
0x3e: {  	_ =	shalt  }
0x3f: {  	_ =	shalt  }
0x40: {  	_ =	shalt  }
0x41: {  	_ =	shalt  }
0x42: {  	_ =	shalt  }
0x43: {  	_ =	shalt  }
0x44: {  	_ =	shalt  }
0x45: {  	_ =	shalt  }
0x46: {  	_ =	shalt  }
0x47: {  	_ =	shalt  }
0x48: {  	_ =	shalt  }
0x49: {  	_ =	shalt  }
0x4a: {  	_ =	shalt  }
0x4b: {  	_ =	shalt  }
0x4c: {  	_ =	shalt  }
0x4d: {  	_ =	shalt  }
0x4e: {  	_ =	shalt  }
0x4f: {  	_ =	shalt  }
0x50: {  	_ =	shalt  }
0x51: {  	_ =	shalt  }
0x52: {  	_ =	shalt  }
0x53: {  	_ =	shalt  }
0x54: {  	_ =	shalt  }
0x55: {  	_ =	shalt  }
0x56: {  	_ =	shalt  }
0x57: {  	_ =	shalt  }
0x58: {  	_ =	shalt  }
0x59: {  	_ =	shalt  }
0x5a: {  	_ =	shalt  }
0x5b: {  	_ =	shalt  }
0x5c: {  	_ =	shalt  }
0x5d: {  	_ =	shalt  }
0x5e: {  	_ =	shalt  }
0x5f: {  	_ =	shalt  }
0x60: {  	_ =	shalt  }
0x61: {  	_ =	shalt  }
0x62: {  	_ =	shalt  }
0x63: {  	_ =	shalt  }
0x64: {  	_ =	shalt  }
0x65: {  	_ =	shalt  }
0x66: {  	_ =	shalt  }
0x67: {  	_ =	shalt  }
0x68: {  	_ =	shalt  }
0x69: {  	_ =	shalt  }
0x6a: {  	_ =	shalt  }
0x6b: {  	_ =	shalt  }
0x6c: {  	_ =	shalt  }
0x6d: {  	_ =	shalt  }
0x6e: {  	_ =	shalt  }
0x6f: {  	_ =	shalt  }
0x70: {  	_ =	shalt  }
0x71: {  	_ =	shalt  }
0x72: {  	_ =	shalt  }
0x73: {  	_ =	shalt  }
0x74: {  	_ =	shalt  }
0x75: {  	_ =	shalt  }
0x76: {  	_ =	shalt  }
0x77: {  	_ =	shalt  }
0x78: {  	_ =	shalt  }
0x79: {  	_ =	shalt  }
0x7a: {  	_ =	shalt  }
0x7b: {  	_ =	shalt  }
0x7c: {  	_ =	shalt  }
0x7d: {  	_ =	shalt  }
0x7e: {  	_ =	shalt  }
0x7f: {  	_ =	shalt  }
0x80: {  	_ =	shalt  }
0x81: {  	_ =	shalt  }
0x82: {  	_ =	shalt  }
0x83: {  	_ =	shalt  }
0x84: {  	_ =	shalt  }
0x85: {  	_ =	shalt  }
0x86: {  	_ =	shalt  }
0x87: {  	_ =	shalt  }
.Lfunc_end0:
.L_simem_size_0:
called_computation_lowered:
.L_overlay_start_0:
0x88: {  	s2 =	sld [smem:$0x3FD9]  }
0x89: {  	s3 =	sld [smem:$0x3FFE];
	_ =	sdelay $0x1  }
0x8a: {  	s1 =	srdreg.scid  }
0x8b: {  	s0 =	sand.u32 $0x1, s1  }
0x8c: {  	s18 =	sshll.u32 s0, $0xA;
	s2 =	sadd.s32 s3, s2  }
0x8d: {  	s2 =	sadd.s32 s2, s18  }
0x8e: {  	[smem:$0x3FC5] =	sst s2  }
0x8f: {  	_ = 	snop  }
0x90: {  	s2 =	sld [smem:$0x3FC9]  }
0x91: {  	s19 =	sld [smem:$0x3FC8]  }
0x92: {  	s4 =	sld [smem:$0x3FC7]  }
0x93: {  	s5 =	sld [smem:$0x3FD0];
	(tm) =	ssettm $0x1  }
0x94: {  	s6 =	sld [smem:$0x3FFB];
	_ =	sdelay $0x3  }
0x95: {  	_ =	strace s6  }
0x96: {  	s6 =	sld [smem:$0x3FFC];
	_ =	sdelay $0x3  }
0x97: {  	_ =	strace s6  }
0x98: {  	s6 =	sld [smem:$0x3FFD];
	_ =	sdelay $0x3  }
0x99: {  	_ =	strace s6  }
0x9a: {  	_ =	strace $0x8FFFFFFF  }
0x9b: {  	s20 =	sld [smem:$0x3FDB];
	_ =	sdelay $0x1  }
0x9c: {  	s7 =	simm.s32 $_scs_section_size  }
0x9d: {  	s8 =	simm.s32 $_size__tile_overlayer_lowered;
	s9 =	simm.s32 $_tile_overlayer_lowered  }
0x9e: {  	s23 =	simm.s32 $0x1BFF;
	s22 =	sshll.u32 s9, $0x1;
	s6 =	sadd.s32 s7, s20  }
0x9f: {  	s10 =	simm.s32 $0x0;
	s21 =	sshll.u32 s8, $0x1;
	s8 =	sadd.s32 s22, s6  }
0xa0: {  	[timem:s10], [sflag:s23] =	dma.local [hbm:s8], s21  }
0xa1: {  	_ =	swait.ge [sflag:s23], s21  }
0xa2: {  	s7 =	ssub.s32 $0x0, s21;
	[sflag:s23] =	ssyncset.done $0x0  }
0xa3: {  	[sflag:s23] =	ssyncadd.s32 s7;
	_ =	sdelay $0x1  }
0xa4: {  	s24 =	simm.s32 $0x1B8B  }
0xa5: {  	_ =	swait.ge [sflag:s24], $0x1  }
0xa6: {  	[sflag:s24] =	ssyncset.done $0x0  }
0xa7: {  	s25 =	simm.s32 $0x1B8E;
	[sflag:s24] =	ssyncadd.s32 $0xFFFFFFFF  }
0xa8: {  	s26 =	simm.s32 $execute0_lowered;
	[smem:$0x3FD2] =	sst s25  }
0xa9: {  	s7 =	sshll.u32 s26, $0x1;
	_ =	strace $0x80000046;
	[dreg:$0x1] =	wrdreg $0xFFFFFFFF  }
0xaa: {  	s28 =	simm.s32 $_size_execute0_lowered;
	s6 =	sadd.s32 s6, s7;
	[dreg:$0x0] =	wrdreg $0x0  }
0xab: {  	s7 =	sshll.u32 s28, $0x1;
	[dreg:$0x2] =	wrdreg s6  }
0xac: {  	[dreg:$0x3] =	wrdreg s7  }
0xad: {  	[dreg:$0x4] =	wrdreg $0xC0  }
0xae: {  	_ =	task [dreg:s10], $0x5FFFF  }
0xaf: {  	[dreg:$0x1] =	wrdreg $0xFFFFFFFF  }
0xb0: {  	[dreg:$0x0] =	wrdreg $0x60  }
0xb1: {  	[dreg:$0x2] =	wrdreg s2  }
0xb2: {  	[dreg:$0x3] =	wrdreg s19  }
0xb3: {  	[dreg:$0x4] =	wrdreg s4  }
0xb4: {  	[dreg:$0x5] =	wrdreg s5  }
0xb5: {  	[dreg:$0x6] =	wrdreg $0x9  }
0xb6: {  	_ =	task.clear_ibuf [dreg:s10], $0x7FFFF;
	_ =	strace $0x90000046  }
0xb7: {  	s29 =	simm.s32 $0x9;
	_ =	strace $0x80000048  }
0xb8: {  	_ =	swait.ge [sflag:s29], $0x1  }
0xb9: {  	[sflag:s29] =	ssyncadd.s32 $0xFFFFFFFF  }
0xba: {  	_ =	strace $0x90000048  }
0xbb: {  	_ =	sfence  }
0xbc: {  	s30 =	sld [smem:$0x0];
	_ =	sdelay $0x2  }
0xbd: {  	s31 =	sshll.u32 s1, $0xD;
	s1 =	sshrl.u32 s1, $0x2  }
0xbe: {  	s3 =	sand.u32 $0x4000, s31;
	s1 =	sadd.s32 s1, s30  }
0xbf: {  	s0 =	sor.u32 s3, s0;
	s1 =	sshll.u32 s1, $0x11  }
0xc0: {  	s0 =	sor.u32 s1, s0  }
0xc1: {  	s0 =	sadd.s32 $0x8F2B, s0  }
0xc2: {  	[sflag:s0] =	ssyncadd.remote.s32 $0x1  }
0xc3: {  	_ =	sfence.sel $0xFFFF  }
0xc4: {  	[dreg:$0x0] =	wrdreg $0xFFFFFFFF;
	(pc) =	sbr.abs _section_cstart, $3  }
0xc5: {  	[dreg:$0x1] =	wrdreg $0xFFFFFFFF  }
0xc6: {  	_ =	task.clear_ibuf [dreg:s10], $0x2FFFF;
	_ =	strace $0x9FFFFFFF  }
0xc7: {  	(tm) =	ssettm $0x7FFFFFFF  }
tec
execute0_lowered:
.L_overlay_start_1:
0x0: {  	(tag) =	ssettag $0x1  }
0x1: {  	s1 =	rddreg [dreg:$0x0]  }
0x2: {  	s0 =	rddreg [dreg:$0x1]  }
0x3: {  	s2 =	rddreg [dreg:$0x2];
	s4 =	srdreg.scid  }
0x4: {  	s3 =	rddreg [dreg:$0x3];
	s5 =	stileid.u32;
	s6 =	sand.u32 $0x1, s4  }
0x5: {  	s4 =	simm.s32 $0x0;
	s5 =	sshll.u32 s5, $0x7;
	s7 =	sshll.u32 s6, $0x6  }
0x6: {  	[smem:$0x7FF] =	sst s4;
	s5 =	sor.u32 s7, s5  }
0x7: {  	s6 =	ssub.s32 $0x2, s6;
	_ =	strace $0x80000047;
	s9 =	sshll.u32 s5, $0x7  }
0x8: {  	s8 =	sshrl.u32 s6, $0x1;
	s7 =	sshrl.u32 s5, $0x3;
	s2 =	sadd.s32 s2, s9  }
0x9: {  	s11 =	ssub.s32 s6, s8;
	s7 =	sadd.s32 s0, s7;
	[dreg:$0x6] =	wrdreg s2  }
0xa: {  	s0 =	smax.u32 s11, $0x1;
	[dreg:$0x5] =	wrdreg s7  }
0xb: {  	s12 =	sadd.s32 $0x100, s7;
	[dreg:$0x17] =	wrdreg s0  }
0xc: {  	s13 =	sadd.s32 $0x200, s7;
	[dreg:$0x7] =	wrdreg s12  }
0xd: {  	s14 =	sadd.s32 $0x300, s7;
	[dreg:$0x8] =	wrdreg s13  }
0xe: {  	s15 =	sadd.s32 $0x400, s7;
	[dreg:$0x9] =	wrdreg s14  }
0xf: {  	s16 =	sadd.s32 $0x500, s7;
	[dreg:$0xa] =	wrdreg s15  }
0x10: {  	s17 =	sadd.s32 $0x600, s7;
	[dreg:$0xb] =	wrdreg s16  }
0x11: {  	s18 =	sadd.s32 $0x700, s7;
	[dreg:$0xc] =	wrdreg s17  }
0x12: {  	s19 =	sadd.s32 $0x800, s7;
	[dreg:$0xd] =	wrdreg s18  }
0x13: {  	s20 =	sadd.s32 $0x900, s7;
	[dreg:$0xe] =	wrdreg s19  }
0x14: {  	s21 =	sadd.s32 $0xA00, s7;
	[dreg:$0xf] =	wrdreg s20  }
0x15: {  	s22 =	sadd.s32 $0xB00, s7;
	[dreg:$0x10] =	wrdreg s21  }
0x16: {  	s31 =	simm.s32 $0x10800;
	s23 =	sadd.s32 $0xC00, s7;
	[dreg:$0x11] =	wrdreg s22  }
0x17: {  	s29 =	simm.s32 $0x14800;
	s24 =	sadd.s32 $0xD00, s7;
	[dreg:$0x12] =	wrdreg s23  }
0x18: {  	s28 =	sadd.s32 $0x300, s1;
	s25 =	sadd.s32 $0xE00, s7;
	[dreg:$0x13] =	wrdreg s24  }
0x19: {  	s30 =	sadd.s32 s9, s3;
	s26 =	sadd.s32 $0xF00, s7;
	[dreg:$0x14] =	wrdreg s25  }
0x1a: {  	s6 =	simm.s32 $0x0;
	s2 =	sadd.s32 $0x3C1800, s30;
	[dreg:$0x15] =	wrdreg s26  }
0x1b: {  	v2 =	vlaneseq.u32;
	s23 =	sadd.s32 $0x100, s1;
	[dreg:$0x16] =	wrdreg s2;
	s26 =	sadd.s32 $0x200, s1  }
0x1c: {  	vm0 =	vmmov $0xffff;
	v1 =	vshrl.u32 v2, $0x3;
	s20 =	simm.s32 $0x1;
	s21 =	simm.s32 $0x18800;
	s14 =	simm.s32 $0x2  }
0x1d: {  	v0 =	vand.u32 $0x7, v2;
	v2 =	vor.u32 $0x8, v2;
	v1 =	vmul.u32 $0x8, v1;
	s15 =	simm.s32 $0x4;
	s16 =	simm.s32 $0x3;
	s17 =	simm.s32 $0x5  }
.LBB2_1:
0x1e: {  	[dreg:$0x18] =	wrdreg s6  }
0x1f: {  	s0 =	rddreg [dreg:$0x6];
	s2 =	simm.s32 $0x800  }
0x20: {  	[tilespmem:s2], [sflag:$0x7] =	stream.linear.gather [hbm4b:s0+s4], $0x10000, $0x38;
	[tilespmem:$0x1C800] =	vst v63  }
0x21: {  	s24 =	rddreg [dreg:$0x5]  }
0x22: {  	[tilespmem:s4], [sflag:$0x8] =	stream.linear.gather [hbm4b:s24+s4], $0x40, $0x38;
	[tilespmem:$0x1C800] =	vst v63  }
0x23: {  	s25 =	rddreg [dreg:$0x7];
	s30 =	simm.s32 $0x80  }
0x24: {  	[tilespmem:s30], [sflag:$0x8] =	stream.linear.gather [hbm4b:s25+s4], $0x40, $0x38;
	[tilespmem:$0x1C800] =	vst v63  }
0x25: {  	s6 =	rddreg [dreg:$0x8];
	s7 =	simm.s32 $0x100  }
0x26: {  	[tilespmem:s7], [sflag:$0x8] =	stream.linear.gather [hbm4b:s6+s4], $0x40, $0x38;
	[tilespmem:$0x1C800] =	vst v63  }
0x27: {  	s8 =	rddreg [dreg:$0x9];
	s9 =	simm.s32 $0x180  }
0x28: {  	[tilespmem:s9], [sflag:$0x8] =	stream.linear.gather [hbm4b:s8+s4], $0x40, $0x38;
	[tilespmem:$0x1C800] =	vst v63  }
0x29: {  	s10 =	rddreg [dreg:$0xa];
	s11 =	simm.s32 $0x200  }
0x2a: {  	[tilespmem:s11], [sflag:$0x8] =	stream.linear.gather [hbm4b:s10+s4], $0x40, $0x38;
	[tilespmem:$0x1C800] =	vst v63  }
0x2b: {  	s12 =	rddreg [dreg:$0xb];
	s13 =	simm.s32 $0x280  }
0x2c: {  	[tilespmem:s13], [sflag:$0x8] =	stream.linear.gather [hbm4b:s12+s4], $0x40, $0x38;
	[tilespmem:$0x1C800] =	vst v63  }
0x2d: {  	s18 =	rddreg [dreg:$0xc];
	s19 =	simm.s32 $0x300  }
0x2e: {  	[tilespmem:s19], [sflag:$0x8] =	stream.linear.gather [hbm4b:s18+s4], $0x40, $0x38;
	[tilespmem:$0x1C800] =	vst v63  }
0x2f: {  	s22 =	rddreg [dreg:$0xd];
	s24 =	simm.s32 $0x380  }
0x30: {  	[tilespmem:s24], [sflag:$0x8] =	stream.linear.gather [hbm4b:s22+s4], $0x40, $0x38;
	[tilespmem:$0x1C800] =	vst v63  }
0x31: {  	s25 =	rddreg [dreg:$0xe];
	s30 =	simm.s32 $0x400  }
0x32: {  	[tilespmem:s30], [sflag:$0x8] =	stream.linear.gather [hbm4b:s25+s4], $0x40, $0x38;
	[tilespmem:$0x1C800] =	vst v63  }
0x33: {  	s6 =	rddreg [dreg:$0xf];
	s7 =	simm.s32 $0x480  }
0x34: {  	[tilespmem:s7], [sflag:$0x8] =	stream.linear.gather [hbm4b:s6+s4], $0x40, $0x38;
	[tilespmem:$0x1C800] =	vst v63  }
0x35: {  	s8 =	rddreg [dreg:$0x10];
	s9 =	simm.s32 $0x500  }
0x36: {  	[tilespmem:s9], [sflag:$0x8] =	stream.linear.gather [hbm4b:s8+s4], $0x40, $0x38;
	[tilespmem:$0x1C800] =	vst v63  }
0x37: {  	s10 =	rddreg [dreg:$0x11];
	s11 =	simm.s32 $0x580  }
0x38: {  	[tilespmem:s11], [sflag:$0x8] =	stream.linear.gather [hbm4b:s10+s4], $0x40, $0x38;
	[tilespmem:$0x1C800] =	vst v63  }
0x39: {  	s12 =	rddreg [dreg:$0x12];
	s13 =	simm.s32 $0x600  }
0x3a: {  	[tilespmem:s13], [sflag:$0x8] =	stream.linear.gather [hbm4b:s12+s4], $0x40, $0x38;
	[tilespmem:$0x1C800] =	vst v63  }
0x3b: {  	s18 =	rddreg [dreg:$0x13];
	s19 =	simm.s32 $0x680  }
0x3c: {  	[tilespmem:s19], [sflag:$0x8] =	stream.linear.gather [hbm4b:s18+s4], $0x40, $0x38;
	[tilespmem:$0x1C800] =	vst v63  }
0x3d: {  	s22 =	rddreg [dreg:$0x14];
	s24 =	simm.s32 $0x700  }
0x3e: {  	[tilespmem:s24], [sflag:$0x8] =	stream.linear.gather [hbm4b:s22+s4], $0x40, $0x38;
	[tilespmem:$0x1C800] =	vst v63  }
0x3f: {  	s2 =	simm.s32 $0x8;
	s25 =	rddreg [dreg:$0x15];
	s30 =	simm.s32 $0x780  }
0x40: {  	[tilespmem:s30], [sflag:$0x8] =	stream.linear.gather [hbm4b:s25+s4], $0x40, $0x38;
	[tilespmem:$0x1C800] =	vst v63  }
0x41: {  	_ =	swait.ge [sflag:s2], $0x40  }
0x42: {  	[sflag:s2] =	ssyncset.done $0x0  }
0x43: {  	[sflag:s2] =	ssyncadd.s32 $0xFFFFFFC0  }
0x44: {  	_ =	swait.ge [sflag:s2], $0x40  }
0x45: {  	[sflag:s2] =	ssyncset.done $0x0  }
0x46: {  	[sflag:s2] =	ssyncadd.s32 $0xFFFFFFC0  }
0x47: {  	_ =	swait.ge [sflag:s2], $0x40  }
0x48: {  	[sflag:s2] =	ssyncset.done $0x0  }
0x49: {  	[sflag:s2] =	ssyncadd.s32 $0xFFFFFFC0  }
0x4a: {  	_ =	swait.ge [sflag:s2], $0x40  }
0x4b: {  	[sflag:s2] =	ssyncset.done $0x0  }
0x4c: {  	[sflag:s2] =	ssyncadd.s32 $0xFFFFFFC0  }
0x4d: {  	_ =	swait.ge [sflag:s2], $0x40  }
0x4e: {  	[sflag:s2] =	ssyncset.done $0x0  }
0x4f: {  	[sflag:s2] =	ssyncadd.s32 $0xFFFFFFC0  }
0x50: {  	_ =	swait.ge [sflag:s2], $0x40  }
0x51: {  	[sflag:s2] =	ssyncset.done $0x0  }
0x52: {  	[sflag:s2] =	ssyncadd.s32 $0xFFFFFFC0  }
0x53: {  	_ =	swait.ge [sflag:s2], $0x40  }
0x54: {  	[sflag:s2] =	ssyncset.done $0x0  }
0x55: {  	[sflag:s2] =	ssyncadd.s32 $0xFFFFFFC0  }
0x56: {  	_ =	swait.ge [sflag:s2], $0x40  }
0x57: {  	[sflag:s2] =	ssyncset.done $0x0  }
0x58: {  	[sflag:s2] =	ssyncadd.s32 $0xFFFFFFC0  }
0x59: {  	_ =	swait.ge [sflag:s2], $0x40  }
0x5a: {  	[sflag:s2] =	ssyncset.done $0x0  }
0x5b: {  	[sflag:s2] =	ssyncadd.s32 $0xFFFFFFC0  }
0x5c: {  	_ =	swait.ge [sflag:s2], $0x40  }
0x5d: {  	[sflag:s2] =	ssyncset.done $0x0  }
0x5e: {  	[sflag:s2] =	ssyncadd.s32 $0xFFFFFFC0  }
0x5f: {  	_ =	swait.ge [sflag:s2], $0x40  }
0x60: {  	[sflag:s2] =	ssyncset.done $0x0  }
0x61: {  	[sflag:s2] =	ssyncadd.s32 $0xFFFFFFC0  }
0x62: {  	_ =	swait.ge [sflag:s2], $0x40  }
0x63: {  	[sflag:s2] =	ssyncset.done $0x0  }
0x64: {  	[sflag:s2] =	ssyncadd.s32 $0xFFFFFFC0  }
0x65: {  	_ =	swait.ge [sflag:s2], $0x40  }
0x66: {  	[sflag:s2] =	ssyncset.done $0x0  }
0x67: {  	[sflag:s2] =	ssyncadd.s32 $0xFFFFFFC0  }
0x68: {  	_ =	swait.ge [sflag:s2], $0x40  }
0x69: {  	[sflag:s2] =	ssyncset.done $0x0  }
0x6a: {  	[sflag:s2] =	ssyncadd.s32 $0xFFFFFFC0  }
0x6b: {  	_ =	swait.ge [sflag:s2], $0x40  }
0x6c: {  	[sflag:s2] =	ssyncset.done $0x0  }
0x6d: {  	[sflag:s2] =	ssyncadd.s32 $0xFFFFFFC0  }
0x6e: {  	_ =	swait.ge [sflag:s2], $0x40  }
0x6f: {  	[sflag:s2] =	ssyncset.done $0x0  }
0x70: {  	[sflag:s2] =	ssyncadd.s32 $0xFFFFFFC0  }
0x71: {  	v3 =	vld [tilespmem:$0x0];
	_ =	sdelay $0x4  }
0x72: {  	v4 =	vshll.u32 v3, $0x3  }
0x73: {  	v3 =	vand.u32 $0x7, v3;
	v4 =	vand.u32 $0xFFFFFFC0, v4  }
0x74: {  	v3 =	vor.u32 v3, v4  }
0x75: {  	v4 =	vperm.xlane v3, v0;
	_ =	sdelay $0x1  }
0x76: {  	v4 =	vadd.s32 v1, v4;
	_ =	sdelay $0x4  }
0x77: {  	[tilespmem:s31], [sflag:$0x1] =	stream.indirect_vreg.gather [hbm4b:s1+s4], $0x80, v4, vm0, $0xb8;
	[tilespmem:$0x1C800] =	vst v63  }
0x78: {  	s6 =	simm.s32 $0x11000;
	v3 =	vperm.xlane v3, v2  }
0x79: {  	[tilespmem:s6], [sflag:$0x1] =	stream.indirect_vreg.gather [hbm4b:s23+s4], $0x80, v4, vm0, $0xb8;
	[tilespmem:$0x1C800] =	vst v63  }
0x7a: {  	s7 =	simm.s32 $0x11800;
	v3 =	vadd.s32 v1, v3  }
0x7b: {  	[tilespmem:s7], [sflag:$0x1] =	stream.indirect_vreg.gather [hbm4b:s26+s4], $0x80, v4, vm0, $0xb8;
	[tilespmem:$0x1C800] =	vst v63  }
0x7c: {  	s8 =	simm.s32 $0x12000  }
0x7d: {  	[tilespmem:s8], [sflag:$0x1] =	stream.indirect_vreg.gather [hbm4b:s28+s4], $0x80, v4, vm0, $0xb8;
	[tilespmem:$0x1C800] =	vst v63  }
0x7e: {  	s9 =	simm.s32 $0x12800  }
0x7f: {  	[tilespmem:s9], [sflag:$0x1] =	stream.indirect_vreg.gather [hbm4b:s1+s4], $0x80, v3, vm0, $0xb8;
	[tilespmem:$0x1C800] =	vst v63  }
0x80: {  	s10 =	simm.s32 $0x13000  }
0x81: {  	[tilespmem:s10], [sflag:$0x1] =	stream.indirect_vreg.gather [hbm4b:s23+s4], $0x80, v3, vm0, $0xb8;
	[tilespmem:$0x1C800] =	vst v63  }
0x82: {  	s11 =	simm.s32 $0x13800  }
0x83: {  	[tilespmem:s11], [sflag:$0x1] =	stream.indirect_vreg.gather [hbm4b:s26+s4], $0x80, v3, vm0, $0xb8;
	[tilespmem:$0x1C800] =	vst v63  }
0x84: {  	s12 =	simm.s32 $0x14000  }
0x85: {  	[tilespmem:s12], [sflag:$0x1] =	stream.indirect_vreg.gather [hbm4b:s28+s4], $0x80, v3, vm0, $0xb8;
	[tilespmem:$0x1C800] =	vst v63  }
0x86: {  	v3 =	vld [tilespmem:$0x10];
	_ =	sdelay $0x4  }
0x87: {  	v63 =	vshll.u32 v3, $0x3  }
0x88: {  	v3 =	vand.u32 $0x7, v3;
	v4 =	vand.u32 $0xFFFFFFC0, v63  }
0x89: {  	v3 =	vor.u32 v3, v4  }
0x8a: {  	v4 =	vperm.xlane v3, v0;
	_ =	sdelay $0x1  }
0x8b: {  	v4 =	vadd.s32 v1, v4;
	_ =	sdelay $0x4  }
0x8c: {  	[tilespmem:s29], [sflag:$0x2] =	stream.indirect_vreg.gather [hbm4b:s1+s4], $0x80, v4, vm0, $0xb8;
	[tilespmem:$0x1C800] =	vst v63  }
0x8d: {  	s13 =	simm.s32 $0x15000;
	v3 =	vperm.xlane v3, v2  }
0x8e: {  	[tilespmem:s13], [sflag:$0x2] =	stream.indirect_vreg.gather [hbm4b:s23+s4], $0x80, v4, vm0, $0xb8;
	[tilespmem:$0x1C800] =	vst v63  }
0x8f: {  	s18 =	simm.s32 $0x15800;
	v3 =	vadd.s32 v1, v3  }
0x90: {  	[tilespmem:s18], [sflag:$0x2] =	stream.indirect_vreg.gather [hbm4b:s26+s4], $0x80, v4, vm0, $0xb8;
	[tilespmem:$0x1C800] =	vst v63  }
0x91: {  	s19 =	simm.s32 $0x16000  }
0x92: {  	[tilespmem:s19], [sflag:$0x2] =	stream.indirect_vreg.gather [hbm4b:s28+s4], $0x80, v4, vm0, $0xb8;
	[tilespmem:$0x1C800] =	vst v63  }
0x93: {  	s22 =	simm.s32 $0x16800  }
0x94: {  	[tilespmem:s22], [sflag:$0x2] =	stream.indirect_vreg.gather [hbm4b:s1+s4], $0x80, v3, vm0, $0xb8;
	[tilespmem:$0x1C800] =	vst v63  }
0x95: {  	s24 =	simm.s32 $0x17000  }
0x96: {  	[tilespmem:s24], [sflag:$0x2] =	stream.indirect_vreg.gather [hbm4b:s23+s4], $0x80, v3, vm0, $0xb8;
	[tilespmem:$0x1C800] =	vst v63  }
0x97: {  	s25 =	simm.s32 $0x17800  }
0x98: {  	[tilespmem:s25], [sflag:$0x2] =	stream.indirect_vreg.gather [hbm4b:s26+s4], $0x80, v3, vm0, $0xb8;
	[tilespmem:$0x1C800] =	vst v63  }
0x99: {  	s30 =	simm.s32 $0x7;
	s29 =	simm.s32 $0x18000  }
0x9a: {  	[tilespmem:s29], [sflag:$0x2] =	stream.indirect_vreg.gather [hbm4b:s28+s4], $0x80, v3, vm0, $0xb8;
	[tilespmem:$0x1C800] =	vst v63  }
0x9b: {  	_ =	swait.ge [sflag:s30], $0x10000  }
0x9c: {  	[sflag:s30] =	ssyncset.done $0x0  }
0x9d: {  	s18 =	simm.s32 $0x0;
	[sflag:s30] =	ssyncadd.s32 $0xFFFF0000  }
.LBB2_2:
0x9e: {  	s0 =	smul.u32 $0x30, s18;
	_ =	sdelay $0x1  }
0x9f: {  	s2 =	sadd.s32 $0x0, s0  }
0xa0: {  	_ =	swait.ge [sflag:s20], $0x4000;
	s7 =	simm.s32 $0x0;
	s6 =	sshll.u32 s2, $0xA  }
0xa1: {  	s7 =	sand.u32 $0x380, s7;
	s2 =	simm.s32 $0x0;
	s6 =	sand.u32 $0xE000, s6  }
0xa2: {  	[sflag:s20] =	ssyncset.done $0x0;
	s8 =	sand.u32 $0x1C00, s2;
	s6 =	sor.u32 s7, s6  }
0xa3: {  	[sflag:s20] =	ssyncadd.s32 $0xFFFFC000;
	s13 =	sor.u32 s6, s8  }
0xa4: {  	v7 =	vld [tilespmem:s13+$0x870]  }
0xa5: {  	v3 =	vld [tilespmem:s13+$0x800]  }
0xa6: {  	s29 =	sand.u32 $0x2000, s2;
	v5 =	vld [tilespmem:s13+$0x810]  }
0xa7: {  	s6 =	sor.u32 s7, s29;
	v6 =	vld [tilespmem:s13+$0x820]  }
0xa8: {  	s7 =	sor.u32 s6, s8;
	v4 =	vld [tilespmem:s13+$0x830]  }
0xa9: {  	v8 =	vld [tilespmem:s13+$0x850];
	s19 =	sadd.s32 $0x10800, s7  }
0xaa: {  	s6 =	simm.s32 $0x0;
	v9 =	vld [tilespmem:s13+$0x860];
	s30 =	sor.u32 $0x70, s19;
	s10 =	sor.u32 $0x10, s19  }
0xab: {  	s9 =	sor.u32 $0x20, s19;
	s8 =	sor.u32 $0x30, s19;
	s12 =	sor.u32 $0x40, s19;
	[tilespmem:s30+$0x0] =	vst.add.f32.msk $0xffff, v7  }
0xac: {  	s22 =	sor.u32 $0x50, s19;
	s24 =	sor.u32 $0x60, s19;
	s19 =	simm.s32 $0x0;
	v7 =	vld [tilespmem:s13+$0x840]  }
.LBB2_3:
0xad: {  	s6 =	sadd.s32 $0x8, s6;
	[tilespmem:s7+$0x10800] =	vst.add.f32.msk $0xffff, v3  }
0xae: {  	s7 =	sshrl.u32 s6, $0x6;
	p0 =	slt.u32 s6, $0x3F8;
	[tilespmem:s10+$0x0] =	vst.add.f32.msk $0xffff, v5  }
0xaf: {  	s7 =	sadd.s32 s0, s7;
	[tilespmem:s9+$0x0] =	vst.add.f32.msk $0xffff, v6  }
0xb0: {  	s9 =	sshll.u32 s6, $0x1;
	s7 =	sshll.u32 s7, $0xA;
	[tilespmem:s8+$0x0] =	vst.add.f32.msk $0xffff, v4  }
0xb1: {  	s2 =	sadd.s32 $0x400, s2;
	s8 =	sand.u32 $0x380, s9;
	s7 =	sand.u32 $0xE000, s7;
	[tilespmem:s12+$0x0] =	vst.add.f32.msk $0xffff, v7  }
0xb2: {  	s19 =	sadd.s32 $0x80, s19;
	s9 =	sand.u32 $0x1C00, s2;
	s7 =	sor.u32 s8, s7;
	[tilespmem:s22+$0x0] =	vst.add.f32.msk $0xffff, v8  }
0xb3: {  	s13 =	sor.u32 s7, s9;
	[tilespmem:s24+$0x0] =	vst.add.f32.msk $0xffff, v9;
	s7 =	sand.u32 $0x2000, s19  }
0xb4: {  	v7 =	vld [tilespmem:s13+$0x870];
	s7 =	sor.u32 s8, s7  }
0xb5: {  	v3 =	vld [tilespmem:s13+$0x800];
	s7 =	sor.u32 s7, s9  }
0xb6: {  	v5 =	vld [tilespmem:s13+$0x810];
	s24 =	sadd.s32 $0x10800, s7  }
0xb7: {  	v6 =	vld [tilespmem:s13+$0x820];
	s10 =	sor.u32 $0x10, s24  }
.Ltmp0:
0xb8: {  	s9 =	sor.u32 $0x20, s24;
	s25 =	sor.u32 $0x70, s24;
	v4 =	vld [tilespmem:s13+$0x830];
	(pc) =	sbr.rel @p0 .LBB2_3-.Ltmp0, $4  }
0xb9: {  	s8 =	sor.u32 $0x30, s24;
	s12 =	sor.u32 $0x40, s24;
	s22 =	sor.u32 $0x50, s24;
	[tilespmem:s25+$0x0] =	vst.add.f32.msk $0xffff, v7  }
0xba: {  	s24 =	sor.u32 $0x60, s24;
	v7 =	vld [tilespmem:s13+$0x840]  }
0xbb: {  	v8 =	vld [tilespmem:s13+$0x850]  }
0xbc: {  	v9 =	vld [tilespmem:s13+$0x860]  }
0xbd: {  	[tilespmem:s7+$0x10800] =	vst.add.f32.msk $0xffff, v3;
	s2 =	smul.u32 $0x600, s18  }
0xbe: {  	[tilespmem:s10+$0x0] =	vst.add.f32.msk $0xffff, v5  }
0xbf: {  	[tilespmem:s9+$0x0] =	vst.add.f32.msk $0xffff, v6;
	s0 =	sand.u32 $0x30, s0;
	s2 =	sand.u32 $0xF800, s2  }
0xc0: {  	[tilespmem:s8+$0x0] =	vst.add.f32.msk $0xffff, v4;
	s25 =	smul.u32 $0x3, s18;
	s0 =	sor.u32 s0, s2  }
0xc1: {  	[tilespmem:s12+$0x0] =	vst.add.f32.msk $0xffff, v7;
	s0 =	sor.u32 s5, s0  }
0xc2: {  	s12 =	sadd.s32 $0x2, s25;
	[tilespmem:s22+$0x0] =	vst.add.f32.msk $0xffff, v8;
	s0 =	sshll.u32 s0, $0x7  }
0xc3: {  	p0 =	seq.s32 s18, $0x0;
	s22 =	sshrl.u32 s12, $0x2;
	[tilespmem:s24+$0x0] =	vst.add.f32.msk $0xffff, v9;
	s0 =	sadd.s32 s3, s0  }
0xc4: {  	[hbm4b:s0+s4] =	stream.linear.scatter [tilespmem:s31], [sflag:$0x4], $0x4000, $0x38;
	[tilespmem:$0x1C800] =	vst v63  }
0xc5: {  	s24 =	sand.u32 $0x3, s12;
	s2 =	sshll.u32 @!p0 s22, $0x7;
	s0 =	simm.s32 @!p0 $0x6  }
0xc6: {  	s2 =	sand.u32 @!p0 $0x3FFFFF80, s2;
	s6 =	sshll.u32 @!p0 s24, $0x4;
	_ =	swait.ge @!p0 [sflag:s0], $0x4000  }
0xc7: {  	s2 =	sor.u32 @!p0 s6, s2;
	[sflag:s0] =	ssyncset.done @!p0 $0x0  }
0xc8: {  	s2 =	simm.s32 @p0 $0x20;
	[sflag:s0] =	ssyncadd.s32 @!p0 $0xFFFFC000  }
0xc9: {  	v3 =	vld [tilespmem:s2+$0x0];
	_ =	sdelay $0x4  }
0xca: {  	v4 =	vshll.u32 v3, $0x3  }
0xcb: {  	v3 =	vand.u32 $0x7, v3;
	v4 =	vand.u32 $0xFFFFFFC0, v4  }
0xcc: {  	v3 =	vor.u32 v3, v4  }
0xcd: {  	v4 =	vperm.xlane v3, v0;
	_ =	sdelay $0x1  }
0xce: {  	v4 =	vadd.s32 v1, v4;
	_ =	sdelay $0x3  }
0xcf: {  	s6 =	simm.s32 $0x0  }
0xd0: {  	[tilespmem:s21], [sflag:$0x3] =	stream.indirect_vreg.gather [hbm4b:s1+s6], $0x80, v4, vm0, $0xb8;
	[tilespmem:$0x1C800] =	vst v63  }
0xd1: {  	s13 =	simm.s32 $0x19000;
	v3 =	vperm.xlane v3, v2  }
0xd2: {  	[tilespmem:s13], [sflag:$0x3] =	stream.indirect_vreg.gather [hbm4b:s23+s6], $0x80, v4, vm0, $0xb8;
	[tilespmem:$0x1C800] =	vst v63  }
0xd3: {  	s19 =	simm.s32 $0x19800;
	v3 =	vadd.s32 v1, v3  }
0xd4: {  	[tilespmem:s19], [sflag:$0x3] =	stream.indirect_vreg.gather [hbm4b:s26+s6], $0x80, v4, vm0, $0xb8;
	[tilespmem:$0x1C800] =	vst v63  }
0xd5: {  	s21 =	simm.s32 $0x1A000  }
0xd6: {  	[tilespmem:s21], [sflag:$0x3] =	stream.indirect_vreg.gather [hbm4b:s28+s6], $0x80, v4, vm0, $0xb8;
	[tilespmem:$0x1C800] =	vst v63  }
0xd7: {  	s2 =	simm.s32 $0x1A800  }
0xd8: {  	[tilespmem:s2], [sflag:$0x3] =	stream.indirect_vreg.gather [hbm4b:s1+s6], $0x80, v3, vm0, $0xb8;
	[tilespmem:$0x1C800] =	vst v63  }
0xd9: {  	s2 =	sadd.s32 $0x1, s25  }
0xda: {  	s7 =	simm.s32 $0x1B000;
	s10 =	sshll.u32 s2, $0x4  }
0xdb: {  	[tilespmem:s7], [sflag:$0x3] =	stream.indirect_vreg.gather [hbm4b:s23+s6], $0x80, v3, vm0, $0xb8;
	[tilespmem:$0x1C800] =	vst v63  }
0xdc: {  	s0 =	sand.u32 $0x30, s10  }
0xdd: {  	s8 =	simm.s32 $0x1B800;
	s11 =	sadd.s32 $0x0, s0  }
0xde: {  	[tilespmem:s8], [sflag:$0x3] =	stream.indirect_vreg.gather [hbm4b:s26+s6], $0x80, v3, vm0, $0xb8;
	[tilespmem:$0x1C800] =	vst v63  }
0xdf: {  	s9 =	simm.s32 $0x1C000;
	s12 =	simm.s32 $0x0;
	s7 =	sshll.u32 s11, $0xA  }
0xe0: {  	[tilespmem:s9], [sflag:$0x3] =	stream.indirect_vreg.gather [hbm4b:s28+s6], $0x80, v3, vm0, $0xb8;
	[tilespmem:$0x1C800] =	vst v63  }
0xe1: {  	s8 =	sand.u32 $0x380, s12;
	s7 =	sand.u32 $0xE000, s7;
	_ =	swait.ge [sflag:s14], $0x4000  }
0xe2: {  	s13 =	sand.u32 $0x1C00, s6;
	s7 =	sor.u32 s8, s7;
	[sflag:s14] =	ssyncset.done $0x0  }
0xe3: {  	s29 =	sor.u32 s7, s13;
	[sflag:s14] =	ssyncadd.s32 $0xFFFFC000  }
0xe4: {  	v7 =	vld [tilespmem:s29+$0x870]  }
0xe5: {  	v3 =	vld [tilespmem:s29+$0x800]  }
0xe6: {  	s19 =	sand.u32 $0x2000, s6;
	v5 =	vld [tilespmem:s29+$0x810]  }
0xe7: {  	s7 =	sor.u32 s8, s19;
	v6 =	vld [tilespmem:s29+$0x820]  }
0xe8: {  	s13 =	sor.u32 s7, s13;
	v4 =	vld [tilespmem:s29+$0x830]  }
0xe9: {  	s7 =	sadd.s32 $0x14800, s13;
	v8 =	vld [tilespmem:s29+$0x850]  }
0xea: {  	s19 =	simm.s32 $0x0;
	s21 =	sor.u32 $0x70, s7;
	s30 =	sor.u32 $0x10, s7;
	v9 =	vld [tilespmem:s29+$0x860]  }
0xeb: {  	s10 =	sor.u32 $0x20, s7;
	s9 =	sor.u32 $0x30, s7;
	s8 =	sor.u32 $0x40, s7;
	[tilespmem:s21+$0x0] =	vst.add.f32.msk $0xffff, v7  }
0xec: {  	s12 =	sor.u32 $0x50, s7;
	s7 =	sor.u32 $0x60, s7;
	v7 =	vld [tilespmem:s29+$0x840];
	s29 =	simm.s32 $0x0  }
.LBB2_5:
0xed: {  	s19 =	sadd.s32 $0x8, s19;
	[tilespmem:s13+$0x14800] =	vst.add.f32.msk $0xffff, v3  }
0xee: {  	s13 =	sshrl.u32 s19, $0x6;
	p0 =	slt.u32 s19, $0x3F8;
	[tilespmem:s30+$0x0] =	vst.add.f32.msk $0xffff, v5  }
0xef: {  	s13 =	sadd.s32 s0, s13;
	[tilespmem:s10+$0x0] =	vst.add.f32.msk $0xffff, v6  }
0xf0: {  	s10 =	sshll.u32 s13, $0xA;
	s13 =	sshll.u32 s19, $0x1;
	[tilespmem:s9+$0x0] =	vst.add.f32.msk $0xffff, v4  }
0xf1: {  	s6 =	sadd.s32 $0x400, s6;
	s9 =	sand.u32 $0xE000, s10;
	s10 =	sand.u32 $0x380, s13;
	[tilespmem:s8+$0x0] =	vst.add.f32.msk $0xffff, v7  }
0xf2: {  	s29 =	sadd.s32 $0x80, s29;
	s8 =	sand.u32 $0x1C00, s6;
	s9 =	sor.u32 s10, s9;
	[tilespmem:s12+$0x0] =	vst.add.f32.msk $0xffff, v8  }
0xf3: {  	s11 =	sor.u32 s9, s8;
	[tilespmem:s7+$0x0] =	vst.add.f32.msk $0xffff, v9;
	s7 =	sand.u32 $0x2000, s29  }
0xf4: {  	v7 =	vld [tilespmem:s11+$0x870];
	s7 =	sor.u32 s10, s7  }
0xf5: {  	v3 =	vld [tilespmem:s11+$0x800];
	s13 =	sor.u32 s7, s8  }
0xf6: {  	v5 =	vld [tilespmem:s11+$0x810];
	s7 =	sadd.s32 $0x14800, s13  }
0xf7: {  	v6 =	vld [tilespmem:s11+$0x820];
	s30 =	sor.u32 $0x10, s7  }
.Ltmp1:
0xf8: {  	s10 =	sor.u32 $0x20, s7;
	s21 =	sor.u32 $0x70, s7;
	v4 =	vld [tilespmem:s11+$0x830];
	(pc) =	sbr.rel @p0 .LBB2_5-.Ltmp1, $4  }
0xf9: {  	s9 =	sor.u32 $0x30, s7;
	s8 =	sor.u32 $0x40, s7;
	s12 =	sor.u32 $0x50, s7;
	[tilespmem:s21+$0x0] =	vst.add.f32.msk $0xffff, v7  }
0xfa: {  	s7 =	sor.u32 $0x60, s7;
	v7 =	vld [tilespmem:s11+$0x840]  }
0xfb: {  	v8 =	vld [tilespmem:s11+$0x850]  }
0xfc: {  	v9 =	vld [tilespmem:s11+$0x860]  }
0xfd: {  	[tilespmem:s13+$0x14800] =	vst.add.f32.msk $0xffff, v3  }
0xfe: {  	[tilespmem:s30+$0x0] =	vst.add.f32.msk $0xffff, v5;
	s2 =	sshll.u32 s2, $0x9  }
0xff: {  	[tilespmem:s10+$0x0] =	vst.add.f32.msk $0xffff, v6;
	s2 =	sand.u32 $0x1F800, s2  }
0x100: {  	[tilespmem:s9+$0x0] =	vst.add.f32.msk $0xffff, v4;
	s2 =	sor.u32 s2, s5  }
0x101: {  	[tilespmem:s8+$0x0] =	vst.add.f32.msk $0xffff, v7;
	s0 =	sor.u32 s0, s2  }
0x102: {  	s6 =	simm.s32 $0x0;
	[tilespmem:s12+$0x0] =	vst.add.f32.msk $0xffff, v8;
	s0 =	sshll.u32 s0, $0x7  }
0x103: {  	s29 =	simm.s32 $0x14800;
	s25 =	sadd.s32 $0x3, s25;
	[tilespmem:s7+$0x0] =	vst.add.f32.msk $0xffff, v9;
	s0 =	sadd.s32 s3, s0  }
0x104: {  	[hbm4b:s0+s6] =	stream.linear.scatter [tilespmem:s29], [sflag:$0x5], $0x4000, $0x38;
	[tilespmem:$0x1C800] =	vst v63  }
0x105: {  	s30 =	sshll.u32 s25, $0x5;
	s0 =	sshll.u32 s25, $0x4;
	_ =	swait.ge [sflag:s15], $0x4000  }
0x106: {  	s2 =	sand.u32 $0x1F80, s30;
	s0 =	sand.u32 $0x30, s0;
	[sflag:s15] =	ssyncset.done $0x0  }
0x107: {  	s0 =	sor.u32 s0, s2;
	[sflag:s15] =	ssyncadd.s32 $0xFFFFC000  }
0x108: {  	v3 =	vld [tilespmem:s0+$0x0];
	_ =	sdelay $0x4  }
0x109: {  	v4 =	vshll.u32 v3, $0x3  }
0x10a: {  	v3 =	vand.u32 $0x7, v3;
	v4 =	vand.u32 $0xFFFFFFC0, v4  }
0x10b: {  	v3 =	vor.u32 v3, v4  }
0x10c: {  	v4 =	vperm.xlane v3, v0;
	_ =	sdelay $0x1  }
0x10d: {  	v4 =	vadd.s32 v1, v4;
	_ =	sdelay $0x4  }
0x10e: {  	[tilespmem:s31], [sflag:$0x1] =	stream.indirect_vreg.gather [hbm4b:s1+s6], $0x80, v4, vm0, $0xb8;
	[tilespmem:$0x1C800] =	vst v63  }
0x10f: {  	s2 =	simm.s32 $0x11000;
	v3 =	vperm.xlane v3, v2  }
0x110: {  	[tilespmem:s2], [sflag:$0x1] =	stream.indirect_vreg.gather [hbm4b:s23+s6], $0x80, v4, vm0, $0xb8;
	[tilespmem:$0x1C800] =	vst v63  }
0x111: {  	s7 =	simm.s32 $0x11800;
	v3 =	vadd.s32 v1, v3  }
0x112: {  	[tilespmem:s7], [sflag:$0x1] =	stream.indirect_vreg.gather [hbm4b:s26+s6], $0x80, v4, vm0, $0xb8;
	[tilespmem:$0x1C800] =	vst v63  }
0x113: {  	s8 =	simm.s32 $0x12000  }
0x114: {  	[tilespmem:s8], [sflag:$0x1] =	stream.indirect_vreg.gather [hbm4b:s28+s6], $0x80, v4, vm0, $0xb8;
	[tilespmem:$0x1C800] =	vst v63  }
0x115: {  	s9 =	simm.s32 $0x12800  }
0x116: {  	[tilespmem:s9], [sflag:$0x1] =	stream.indirect_vreg.gather [hbm4b:s1+s6], $0x80, v3, vm0, $0xb8;
	[tilespmem:$0x1C800] =	vst v63  }
0x117: {  	s10 =	simm.s32 $0x13000;
	s0 =	sshll.u32 s24, $0x4  }
0x118: {  	[tilespmem:s10], [sflag:$0x1] =	stream.indirect_vreg.gather [hbm4b:s23+s6], $0x80, v3, vm0, $0xb8;
	[tilespmem:$0x1C800] =	vst v63  }
0x119: {  	s11 =	simm.s32 $0x13800;
	s13 =	sadd.s32 $0x0, s0  }
0x11a: {  	[tilespmem:s11], [sflag:$0x1] =	stream.indirect_vreg.gather [hbm4b:s26+s6], $0x80, v3, vm0, $0xb8;
	[tilespmem:$0x1C800] =	vst v63  }
0x11b: {  	s19 =	simm.s32 $0x0;
	s12 =	simm.s32 $0x14000;
	s2 =	sshll.u32 s13, $0xA  }
0x11c: {  	[tilespmem:s12], [sflag:$0x1] =	stream.indirect_vreg.gather [hbm4b:s28+s6], $0x80, v3, vm0, $0xb8;
	[tilespmem:$0x1C800] =	vst v63  }
0x11d: {  	s2 =	sand.u32 $0xE000, s2;
	s7 =	sand.u32 $0x380, s19;
	_ =	swait.ge [sflag:s16], $0x4000  }
0x11e: {  	s21 =	sand.u32 $0x1C00, s6;
	s2 =	sor.u32 s7, s2;
	[sflag:s16] =	ssyncset.done $0x0  }
0x11f: {  	s11 =	sor.u32 s2, s21;
	[sflag:s16] =	ssyncadd.s32 $0xFFFFC000  }
0x120: {  	v7 =	vld [tilespmem:s11+$0x870]  }
0x121: {  	v3 =	vld [tilespmem:s11+$0x800]  }
0x122: {  	s24 =	sand.u32 $0x2000, s6;
	v4 =	vld [tilespmem:s11+$0x810]  }
0x123: {  	s2 =	sor.u32 s7, s24;
	v6 =	vld [tilespmem:s11+$0x820]  }
0x124: {  	s13 =	sor.u32 s2, s21;
	v5 =	vld [tilespmem:s11+$0x830]  }
0x125: {  	s25 =	sadd.s32 $0x18800, s13;
	v8 =	vld [tilespmem:s11+$0x850]  }
0x126: {  	s19 =	simm.s32 $0x0;
	s2 =	simm.s32 $0x0;
	s30 =	sor.u32 $0x70, s25;
	v9 =	vld [tilespmem:s11+$0x860]  }
0x127: {  	s24 =	sor.u32 $0x10, s25;
	s10 =	sor.u32 $0x20, s25;
	s9 =	sor.u32 $0x30, s25;
	[tilespmem:s30+$0x0] =	vst.add.f32.msk $0xffff, v7  }
0x128: {  	s8 =	sor.u32 $0x40, s25;
	s7 =	sor.u32 $0x50, s25;
	s12 =	sor.u32 $0x60, s25;
	v7 =	vld [tilespmem:s11+$0x840]  }
.LBB2_7:
0x129: {  	s2 =	sadd.s32 $0x8, s2;
	[tilespmem:s13+$0x18800] =	vst.add.f32.msk $0xffff, v3  }
0x12a: {  	s11 =	sshrl.u32 s2, $0x6;
	p0 =	slt.u32 s2, $0x3F8;
	[tilespmem:s24+$0x0] =	vst.add.f32.msk $0xffff, v4  }
0x12b: {  	s11 =	sadd.s32 s0, s11;
	[tilespmem:s10+$0x0] =	vst.add.f32.msk $0xffff, v6  }
0x12c: {  	s10 =	sshll.u32 s11, $0xA;
	s11 =	sshll.u32 s2, $0x1;
	[tilespmem:s9+$0x0] =	vst.add.f32.msk $0xffff, v5  }
0x12d: {  	s6 =	sadd.s32 $0x400, s6;
	s9 =	sand.u32 $0xE000, s10;
	s10 =	sand.u32 $0x380, s11;
	[tilespmem:s8+$0x0] =	vst.add.f32.msk $0xffff, v7  }
0x12e: {  	s19 =	sadd.s32 $0x80, s19;
	s8 =	sand.u32 $0x1C00, s6;
	s9 =	sor.u32 s10, s9;
	[tilespmem:s7+$0x0] =	vst.add.f32.msk $0xffff, v8  }
0x12f: {  	s7 =	sand.u32 $0x2000, s19;
	s11 =	sor.u32 s9, s8;
	[tilespmem:s12+$0x0] =	vst.add.f32.msk $0xffff, v9  }
0x130: {  	s7 =	sor.u32 s10, s7;
	v7 =	vld [tilespmem:s11+$0x870]  }
0x131: {  	s13 =	sor.u32 s7, s8;
	v3 =	vld [tilespmem:s11+$0x800]  }
0x132: {  	s12 =	sadd.s32 $0x18800, s13;
	v4 =	vld [tilespmem:s11+$0x810]  }
0x133: {  	s24 =	sor.u32 $0x10, s12;
	v6 =	vld [tilespmem:s11+$0x820]  }
.Ltmp2:
0x134: {  	s10 =	sor.u32 $0x20, s12;
	s21 =	sor.u32 $0x70, s12;
	v5 =	vld [tilespmem:s11+$0x830];
	(pc) =	sbr.rel @p0 .LBB2_7-.Ltmp2, $4  }
0x135: {  	s9 =	sor.u32 $0x30, s12;
	s8 =	sor.u32 $0x40, s12;
	s7 =	sor.u32 $0x50, s12;
	[tilespmem:s21+$0x0] =	vst.add.f32.msk $0xffff, v7  }
0x136: {  	s12 =	sor.u32 $0x60, s12;
	v7 =	vld [tilespmem:s11+$0x840]  }
0x137: {  	v8 =	vld [tilespmem:s11+$0x850]  }
0x138: {  	v9 =	vld [tilespmem:s11+$0x860]  }
0x139: {  	[tilespmem:s13+$0x18800] =	vst.add.f32.msk $0xffff, v3  }
0x13a: {  	[tilespmem:s24+$0x0] =	vst.add.f32.msk $0xffff, v4  }
0x13b: {  	[tilespmem:s10+$0x0] =	vst.add.f32.msk $0xffff, v6;
	s2 =	sshll.u32 s22, $0xB;
	p0 =	seq.s32 s18, $0x14  }
.Ltmp3:
0x13c: {  	[tilespmem:s9+$0x0] =	vst.add.f32.msk $0xffff, v5;
	s2 =	sor.u32 s5, s2;
	(pc) =	sbr.rel @p0 .LBB2_10-.Ltmp3, $4  }
0x13d: {  	[tilespmem:s8+$0x0] =	vst.add.f32.msk $0xffff, v7;
	s0 =	sor.u32 s0, s2  }
0x13e: {  	[tilespmem:s7+$0x0] =	vst.add.f32.msk $0xffff, v8;
	s0 =	sshll.u32 s0, $0x7  }
0x13f: {  	s21 =	simm.s32 $0x18800;
	[tilespmem:s12+$0x0] =	vst.add.f32.msk $0xffff, v9;
	s0 =	sadd.s32 s3, s0  }
0x140: {  	[hbm4b:s0+s4] =	stream.linear.scatter [tilespmem:s21], [sflag:$0x6], $0x4000, $0x38;
	[tilespmem:$0x1C800] =	vst v63  }
0x141: {  	s0 =	smul.u32 $0x180, s18  }
0x142: {  	s2 =	smul.u32 $0xC0, s18  }
0x143: {  	s0 =	sadd.s32 $0x200, s0  }
0x144: {  	_ =	swait.ge [sflag:s17], $0x4000;
	s2 =	sand.u32 $0xC0, s2;
	s0 =	sand.u32 $0x7E00, s0  }
0x145: {  	[sflag:s17] =	ssyncset.done $0x0;
	s0 =	sor.u32 s2, s0  }
0x146: {  	[sflag:s17] =	ssyncadd.s32 $0xFFFFC000;
	s0 =	sshrl.u32 s0, $0x2  }
0x147: {  	v3 =	vld [tilespmem:s0+$0x0];
	_ =	sdelay $0x4  }
0x148: {  	v4 =	vshll.u32 v3, $0x3  }
0x149: {  	v3 =	vand.u32 $0x7, v3;
	v4 =	vand.u32 $0xFFFFFFC0, v4  }
0x14a: {  	v3 =	vor.u32 v3, v4  }
0x14b: {  	v4 =	vperm.xlane v3, v0;
	_ =	sdelay $0x1  }
0x14c: {  	v4 =	vadd.s32 v1, v4;
	_ =	sdelay $0x4  }
0x14d: {  	[tilespmem:s29], [sflag:$0x2] =	stream.indirect_vreg.gather [hbm4b:s1+s4], $0x80, v4, vm0, $0xb8;
	[tilespmem:$0x1C800] =	vst v63  }
0x14e: {  	s13 =	simm.s32 $0x15000;
	v3 =	vperm.xlane v3, v2  }
0x14f: {  	[tilespmem:s13], [sflag:$0x2] =	stream.indirect_vreg.gather [hbm4b:s23+s4], $0x80, v4, vm0, $0xb8;
	[tilespmem:$0x1C800] =	vst v63  }
0x150: {  	s19 =	simm.s32 $0x15800;
	v3 =	vadd.s32 v1, v3  }
0x151: {  	[tilespmem:s19], [sflag:$0x2] =	stream.indirect_vreg.gather [hbm4b:s26+s4], $0x80, v4, vm0, $0xb8;
	[tilespmem:$0x1C800] =	vst v63  }
0x152: {  	s22 =	simm.s32 $0x16000  }
0x153: {  	[tilespmem:s22], [sflag:$0x2] =	stream.indirect_vreg.gather [hbm4b:s28+s4], $0x80, v4, vm0, $0xb8;
	[tilespmem:$0x1C800] =	vst v63  }
0x154: {  	s24 =	simm.s32 $0x16800  }
0x155: {  	[tilespmem:s24], [sflag:$0x2] =	stream.indirect_vreg.gather [hbm4b:s1+s4], $0x80, v3, vm0, $0xb8;
	[tilespmem:$0x1C800] =	vst v63  }
0x156: {  	s25 =	simm.s32 $0x17000  }
0x157: {  	[tilespmem:s25], [sflag:$0x2] =	stream.indirect_vreg.gather [hbm4b:s23+s4], $0x80, v3, vm0, $0xb8;
	[tilespmem:$0x1C800] =	vst v63  }
.Ltmp4:
0x158: {  	_ = 	snop;
	(pc) =	sbr.rel .LBB2_2-.Ltmp4, $4  }
0x159: {  	s29 =	simm.s32 $0x17800  }
0x15a: {  	[tilespmem:s29], [sflag:$0x2] =	stream.indirect_vreg.gather [hbm4b:s26+s4], $0x80, v3, vm0, $0xb8;
	[tilespmem:$0x1C800] =	vst v63  }
0x15b: {  	s30 =	simm.s32 $0x18000;
	s18 =	sadd.s32 $0x1, s18  }
0x15c: {  	[tilespmem:s30], [sflag:$0x2] =	stream.indirect_vreg.gather [hbm4b:s28+s4], $0x80, v3, vm0, $0xb8;
	[tilespmem:$0x1C800] =	vst v63  }
.LBB2_10:
0x15d: {  	_ =	swait.ge [sflag:s20], $0x4000;
	s2 =	simm.s32 $0x0;
	s6 =	simm.s32 $0x0  }
0x15e: {  	s0 =	simm.s32 $0x0;
	s2 =	sand.u32 $0x2000, s2;
	s6 =	sand.u32 $0x380, s6  }
0x15f: {  	[sflag:s20] =	ssyncset.done $0x0;
	s7 =	sand.u32 $0x1C00, s0;
	s2 =	sor.u32 s6, s2  }
0x160: {  	[sflag:s20] =	ssyncadd.s32 $0xFFFFC000;
	s8 =	sor.u32 s7, s2  }
0x161: {  	v5 =	vld [tilespmem:s8+$0xC870]  }
0x162: {  	v8 =	vld [tilespmem:s8+$0xC800]  }
0x163: {  	s25 =	sand.u32 $0x2000, s0;
	v9 =	vld [tilespmem:s8+$0xC810]  }
0x164: {  	s2 =	sor.u32 s6, s25;
	v4 =	vld [tilespmem:s8+$0xC820]  }
0x165: {  	s6 =	sor.u32 s2, s7;
	v3 =	vld [tilespmem:s8+$0xC830]  }
0x166: {  	v7 =	vld [tilespmem:s8+$0xC840];
	s11 =	sadd.s32 $0x10800, s6  }
0x167: {  	v6 =	vld [tilespmem:s8+$0xC860];
	s30 =	sor.u32 $0x70, s11  }
0x168: {  	[tilespmem:s30+$0x0] =	vst.add.f32.msk $0xffff, v5  }
0x169: {  	s2 =	simm.s32 $0x0;
	s13 =	sor.u32 $0x10, s11;
	v5 =	vld [tilespmem:s8+$0xC850]  }
0x16a: {  	s12 =	sor.u32 $0x20, s11;
	s10 =	sor.u32 $0x30, s11;
	s9 =	sor.u32 $0x40, s11;
	[tilespmem:s6+$0x10800] =	vst.add.f32.msk $0xffff, v8  }
0x16b: {  	s7 =	sor.u32 $0x50, s11;
	s8 =	sor.u32 $0x60, s11;
	[tilespmem:s13+$0x0] =	vst.add.f32.msk $0xffff, v9;
	s6 =	simm.s32 $0x0  }
.LBB2_11:
0x16c: {  	s2 =	sadd.s32 $0x8, s2;
	[tilespmem:s12+$0x0] =	vst.add.f32.msk $0xffff, v4  }
0x16d: {  	s11 =	sshll.u32 s2, $0x4;
	s12 =	sshll.u32 s2, $0x1;
	p0 =	slt.u32 s2, $0x3F8;
	[tilespmem:s10+$0x0] =	vst.add.f32.msk $0xffff, v3  }
0x16e: {  	s0 =	sadd.s32 $0x400, s0;
	s10 =	sand.u32 $0x2000, s11;
	s11 =	sand.u32 $0x380, s12;
	[tilespmem:s9+$0x0] =	vst.add.f32.msk $0xffff, v7  }
0x16f: {  	s9 =	sand.u32 $0x1C00, s0;
	s10 =	sor.u32 s11, s10;
	[tilespmem:s7+$0x0] =	vst.add.f32.msk $0xffff, v5  }
0x170: {  	s6 =	sadd.s32 $0x80, s6;
	s13 =	sor.u32 s9, s10;
	[tilespmem:s8+$0x0] =	vst.add.f32.msk $0xffff, v6  }
0x171: {  	s7 =	sand.u32 $0x2000, s6;
	v5 =	vld [tilespmem:s13+$0xC870]  }
0x172: {  	s7 =	sor.u32 s11, s7;
	v8 =	vld [tilespmem:s13+$0xC800]  }
0x173: {  	s11 =	sor.u32 s7, s9;
	v9 =	vld [tilespmem:s13+$0xC810]  }
0x174: {  	s8 =	sadd.s32 $0x10800, s11;
	v4 =	vld [tilespmem:s13+$0xC820]  }
0x175: {  	s18 =	sor.u32 $0x10, s8;
	s12 =	sor.u32 $0x20, s8;
	s19 =	sor.u32 $0x70, s8;
	v3 =	vld [tilespmem:s13+$0xC830]  }
0x176: {  	s10 =	sor.u32 $0x30, s8;
	s9 =	sor.u32 $0x40, s8;
	s7 =	sor.u32 $0x50, s8;
	[tilespmem:s19+$0x0] =	vst.add.f32.msk $0xffff, v5  }
.Ltmp5:
0x177: {  	s8 =	sor.u32 $0x60, s8;
	v7 =	vld [tilespmem:s13+$0xC840];
	(pc) =	sbr.rel @p0 .LBB2_11-.Ltmp5, $4  }
0x178: {  	v5 =	vld [tilespmem:s13+$0xC850]  }
0x179: {  	v6 =	vld [tilespmem:s13+$0xC860]  }
0x17a: {  	[tilespmem:s11+$0x10800] =	vst.add.f32.msk $0xffff, v8  }
0x17b: {  	[tilespmem:s18+$0x0] =	vst.add.f32.msk $0xffff, v9  }
0x17c: {  	[tilespmem:s12+$0x0] =	vst.add.f32.msk $0xffff, v4  }
0x17d: {  	[tilespmem:s10+$0x0] =	vst.add.f32.msk $0xffff, v3  }
0x17e: {  	[tilespmem:s9+$0x0] =	vst.add.f32.msk $0xffff, v7  }
0x17f: {  	[tilespmem:s7+$0x0] =	vst.add.f32.msk $0xffff, v5  }
0x180: {  	[tilespmem:s8+$0x0] =	vst.add.f32.msk $0xffff, v6  }
0x181: {  	s0 =	rddreg [dreg:$0x16]  }
0x182: {  	[hbm4b:s0+s4] =	stream.linear.scatter [tilespmem:s31], [sflag:$0x4], $0x4000, $0x38;
	[tilespmem:$0x1C800] =	vst v63  }
0x183: {  	_ =	swait.ge [sflag:s15], $0x4000  }
0x184: {  	[sflag:s15] =	ssyncset.done $0x0  }
0x185: {  	[sflag:s15] =	ssyncadd.s32 $0xFFFFC000  }
0x186: {  	_ =	swait.ge [sflag:s17], $0x4000  }
0x187: {  	[sflag:s17] =	ssyncset.done $0x0  }
0x188: {  	s2 =	simm.s32 $0x6;
	[sflag:s17] =	ssyncadd.s32 $0xFFFFC000  }
0x189: {  	_ =	swait.ge [sflag:s2], $0x4000  }
0x18a: {  	s6 =	rddreg [dreg:$0x18]  }
0x18b: {  	s30 =	rddreg [dreg:$0x17];
	s6 =	sadd.s32 $0x1, s6  }
0x18c: {  	p0 =	sne.s32 s6, s30  }
.Ltmp6:
0x18d: {  	_ = 	snop;
	(pc) =	sbr.rel @p0 .LBB2_1-.Ltmp6, $3  }
0x18e: {  	_ =	sdelay $0x1  }
0x18f: {  	[sflag:s2] =	ssyncset.done $0x0  }
0x190: {  	[sflag:s2] =	ssyncadd.s32 $0xFFFFC000  }
0x191: {  	_ =	sfence.sel $0x180000  }
0x192: {  	[bflag:$0x0] =	sbarrier.arrive $0xFFFF  }
0x193: {  	_ =	strace $0x90000047  }
0x194: {  	s0 =	stileid.u32;
	[bflag:$0x2] =	sbarrier.arrive $0xFFFF  }
0x195: {  	p0 =	sne.s32 s0, $0x0;
	s0 =	rddreg [dreg:$0x4]  }
0x196: {  	s0 =	sadd.s32 @!p0 $0x100000, s0  }
0x197: {  	[sflag:s0] =	ssyncadd.tile.s32 @!p0 $0x1;
	_ =	shalt  }
.Lfunc_end2:
_tile_overlayer_lowered:
.L_overlay_start_2:
0x198: {  	(tag) =	ssettag $0x2  }
0x199: {  	s0 =	rddreg [dreg:$0x0];
	s2 =	stileid.u32  }
0x19a: {  	s1 =	rddreg [dreg:$0x1];
	p0 =	sne.s32 s2, $0x0  }
0x19b: {  	s3 =	rddreg [dreg:$0x2];
	[bflag:$0x3] =	sbarrier.arrive $0xFFFF;
	s2 =	simm.s32 @!p0 $0x1C09  }
0x19c: {  	[timem:s3], [sflag:s2] =	dma.local @!p0 [hbm:s0], s1  }
0x19d: {  	s0 =	simm.s32 @!p0 $0x9  }
0x19e: {  	_ =	swait.ge @!p0 [sflag:s0], s1  }
0x19f: {  	s1 =	ssub.s32 @!p0 $0x0, s1;
	[sflag:s0] =	ssyncset.done @!p0 $0x0  }
0x1a0: {  	[sflag:s0] =	ssyncadd.s32 @!p0 s1  }
0x1a1: {  	[bflag:$0x3] =	sbarrier.arrive $0xFFFF  }
0x1a2: {  	_ =	shalt  }

</sc_bundles>
